<compile_context>
chip_gen: v7x
topology: tpu7x:2x2x1
jax: 0.10.2.dev20260603
libtpu: 0.0.44.dev20260713+nightly
codegen_flags: <defaults>
</compile_context>

<pallas_src>
import functools

import jax
import jax.numpy as jnp
from jax import lax
from jax.experimental import pallas as pl
from jax.experimental.pallas import tpu as pltpu
from jax.experimental.pallas import tpu_sc as plsc

_N = 10000
_E = 320000
_D = 128
_H = 128
_C = 40
_G = 64

_NP = 10240
_NC = 2
_NS = 16
_ROWS_PER_TILE = _NP // _NS
_EDGES_PER_TILE = _E // (_NC * _NS)
_KR = 40
_NCH = _EDGES_PER_TILE // _KR
_NBUF = 5

_MESH = plsc.VectorSubcoreMesh(
    core_axis_name="c", subcore_axis_name="s", num_cores=_NC, num_subcores=_NS
)


def _deg_body(dst_hbm, ones_hbm, zeros_hbm, out_hbm, acc, idx_d, ones_v, sem):
    cid = lax.axis_index("c")
    sid = lax.axis_index("s")
    wid = cid * _NS + sid
    r0 = sid * _ROWS_PER_TILE
    zcp = pltpu.async_copy(
        zeros_hbm.at[pl.ds(r0, _ROWS_PER_TILE)], acc.at[pl.ds(r0, _ROWS_PER_TILE)], sem
    )
    pltpu.sync_copy(dst_hbm.at[wid], idx_d)
    pltpu.sync_copy(ones_hbm, ones_v)
    zcp.wait()
    plsc.subcore_barrier()

    def chunk(j, carry):
        pltpu.sync_copy(ones_v, acc.at[idx_d.at[j]], add=True)
        return carry

    lax.fori_loop(0, _NCH, chunk, 0)
    plsc.subcore_barrier()
    pltpu.sync_copy(
        acc.at[pl.ds(r0, _ROWS_PER_TILE)],
        out_hbm.at[cid, pl.ds(r0, _ROWS_PER_TILE)],
    )


def _row_body(
    vals_hbm, src_hbm, dst_hbm, zeros_hbm, out_hbm,
    acc, idx_s, idx_d, rows0, rows1, rows2, rows3, rows4,
    sem0, sem1, sem2, sem3, sem4,
):
    cid = lax.axis_index("c")
    sid = lax.axis_index("s")
    wid = cid * _NS + sid
    r0 = sid * _ROWS_PER_TILE
    zcp = pltpu.async_copy(
        zeros_hbm.at[pl.ds(r0, _ROWS_PER_TILE)], acc.at[pl.ds(r0, _ROWS_PER_TILE)], sem0
    )
    pltpu.sync_copy(src_hbm.at[wid], idx_s)
    pltpu.sync_copy(dst_hbm.at[wid], idx_d)
    zcp.wait()
    plsc.subcore_barrier()

    bufs = (rows0, rows1, rows2, rows3, rows4)
    sems = (sem0, sem1, sem2, sem3, sem4)
    for b in range(_NBUF - 1):
        pltpu.async_copy(vals_hbm.at[idx_s.at[b]], bufs[b], sems[b])
    ngroups = _NCH // _NBUF

    def group(p, carry):
        j0 = _NBUF * p
        for b in range(_NBUF):
            j = j0 + b
            bn = (b + _NBUF - 1) % _NBUF

            @pl.when(j + _NBUF - 1 < _NCH)
            def _():
                pltpu.async_copy(
                    vals_hbm.at[idx_s.at[j + _NBUF - 1]], bufs[bn], sems[bn]
                )

            pltpu.make_async_copy(vals_hbm.at[idx_s.at[j]], bufs[b], sems[b]).wait()
            pltpu.sync_copy(bufs[b], acc.at[idx_d.at[j]], add=True)
        return carry

    lax.fori_loop(0, ngroups, group, 0)
    plsc.subcore_barrier()
    pltpu.sync_copy(
        acc.at[pl.ds(r0, _ROWS_PER_TILE)],
        out_hbm.at[cid, pl.ds(r0, _ROWS_PER_TILE)],
    )


_SC_PARAMS = pltpu.CompilerParams(use_tc_tiling_on_sc=False)


def _deg_call(dst3, ones16, zeros16):
    return pl.kernel(
        _deg_body,
        out_type=jax.ShapeDtypeStruct((_NC, _NP, 16), jnp.float32),
        mesh=_MESH,
        compiler_params=_SC_PARAMS,
        scratch_types=[
            pltpu.VMEM_SHARED((_NP, 16), jnp.float32),
            pltpu.VMEM((_NCH, _KR), jnp.int32),
            pltpu.VMEM((_KR, 16), jnp.float32),
            pltpu.SemaphoreType.DMA,
        ],
    )(dst3, ones16, zeros16)


def _row_call(vals, src3, dst3, zeros):
    return pl.kernel(
        _row_body,
        out_type=jax.ShapeDtypeStruct((_NC, _NP, _H), jnp.float32),
        mesh=_MESH,
        compiler_params=_SC_PARAMS,
        scratch_types=[
            pltpu.VMEM_SHARED((_NP, _H), jnp.float32),
            pltpu.VMEM((_NCH, _KR), jnp.int32),
            pltpu.VMEM((_NCH, _KR), jnp.int32),
            pltpu.VMEM((_KR, _H), jnp.float32),
            pltpu.VMEM((_KR, _H), jnp.float32),
            pltpu.VMEM((_KR, _H), jnp.float32),
            pltpu.VMEM((_KR, _H), jnp.float32),
            pltpu.VMEM((_KR, _H), jnp.float32),
            pltpu.SemaphoreType.DMA,
            pltpu.SemaphoreType.DMA,
            pltpu.SemaphoreType.DMA,
            pltpu.SemaphoreType.DMA,
            pltpu.SemaphoreType.DMA,
        ],
    )(vals, src3, dst3, zeros)


def _dinv_from(dp):
    deg = dp[0, :, 0:1] + dp[1, :, 0:1] + 1.0
    return lax.rsqrt(jnp.maximum(deg, 1.0))


def _tc1_body(x_ref, w_ref, dp_ref, o_ref):
    dinv = _dinv_from(dp_ref[...])
    o_ref[...] = (
        jnp.dot(x_ref[...], w_ref[...], preferred_element_type=jnp.float32) * dinv
    )


def _tc2_body(p_ref, hws_ref, dp_ref, b_ref, w_ref, o_ref):
    dinv = _dinv_from(dp_ref[...])
    p = p_ref[...]
    agg = (p[0] + p[1] + hws_ref[...]) * dinv + b_ref[...]
    h = jnp.maximum(agg, 0.0)
    o_ref[...] = jnp.dot(h, w_ref[...], preferred_element_type=jnp.float32) * dinv


def _tc3_body(p_ref, hws_ref, dp_ref, b_ref, batch_ref, wl_ref, bl_ref, o_ref):
    dinv = _dinv_from(dp_ref[...])
    p = p_ref[...]
    agg = (p[0] + p[1] + hws_ref[...]) * dinv + b_ref[...]
    h = jnp.maximum(agg, 0.0)
    gi = lax.broadcasted_iota(jnp.int32, (_G, 1), 0)
    onehot = (batch_ref[...] == gi).astype(jnp.float32)
    sums = jnp.dot(onehot, h, preferred_element_type=jnp.float32)
    counts = jnp.sum(onehot, axis=1, keepdims=True)
    pooled = sums / jnp.maximum(counts, 1.0)
    o_ref[...] = (
        jnp.dot(pooled, wl_ref[...], preferred_element_type=jnp.float32) + bl_ref[...]
    )


def kernel(x, edge_index, batch, W1, b1, W2, b2, Wl, bl):
    src3 = edge_index[0].reshape(_NC * _NS, _NCH, _KR)
    dst3 = edge_index[1].reshape(_NC * _NS, _NCH, _KR)
    x = jnp.pad(x, ((0, _NP - _N), (0, 0)))
    batch = jnp.pad(batch, (0, _NP - _N), constant_values=_G)
    zeros_rows = jnp.zeros((_NP, _H), jnp.float32)
    zeros16 = jnp.zeros((_NP, 16), jnp.float32)
    ones16 = jnp.ones((_KR, 16), jnp.float32)

    degp = _deg_call(dst3, ones16, zeros16)

    hws1 = pl.pallas_call(
        _tc1_body, out_shape=jax.ShapeDtypeStruct((_NP, _H), jnp.float32)
    )(x, W1, degp)

    P1 = _row_call(hws1, src3, dst3, zeros_rows)

    hws2 = pl.pallas_call(
        _tc2_body, out_shape=jax.ShapeDtypeStruct((_NP, _H), jnp.float32)
    )(P1, hws1, degp, b1.reshape(1, _H), W2)

    P2 = _row_call(hws2, src3, dst3, zeros_rows)

    out = pl.pallas_call(
        _tc3_body, out_shape=jax.ShapeDtypeStruct((_G, _C), jnp.float32)
    )(P2, hws2, degp, b2.reshape(1, _H), batch.reshape(1, _NP), Wl, bl.reshape(1, _C))
    return out

# --- scband reference (transcript-rebuilt; emitter-appended) ---
"""Pipeline reference for scband-gcn-88021059764774 (READ-ONLY COPY).

The authoritative reference and input builder live on the scoring server;
editing this copy changes nothing except your own understanding.
"""

import jax, jax.numpy as jnp
import numpy as np

N = 10000
E = 320000
D = 128
H = 128
C = 40
G = 64

def setup_inputs(seed: int = 0) -> dict:
    key = jax.random.key(seed)
    ks = jax.random.split(key, 10)
    x = jax.random.normal(ks[0], (N, D), dtype=jnp.float32)
    edge_index = jax.random.randint(ks[1], (2, E), 0, N, dtype=jnp.int32)
    batch = jnp.sort(jax.random.randint(ks[2], (N,), 0, G, dtype=jnp.int32))
    W1 = jax.random.normal(ks[3], (D, H), dtype=jnp.float32) / np.sqrt(D)
    b1 = jnp.zeros((H,), dtype=jnp.float32)
    W2 = jax.random.normal(ks[4], (H, H), dtype=jnp.float32) / np.sqrt(H)
    b2 = jnp.zeros((H,), dtype=jnp.float32)
    Wl = jax.random.normal(ks[5], (H, C), dtype=jnp.float32) / np.sqrt(H)
    bl = jnp.zeros((C,), dtype=jnp.float32)
    return {"x": x, "edge_index": edge_index, "batch": batch, "W1": W1, "b1": b1, "W2": W2, "b2": b2, "Wl": Wl, "bl": bl}


def _gcn_conv(h, W, b, src, dst):
    # GCNConv: x @ W, add self-loops, sym-normalized scatter-add aggregation, + bias
    hw = h @ W
    loop = jnp.arange(N, dtype=src.dtype)
    s = jnp.concatenate([src, loop])
    d = jnp.concatenate([dst, loop])
    deg = jax.ops.segment_sum(jnp.ones_like(s, dtype=hw.dtype), d, num_segments=N)
    dinv = jax.lax.rsqrt(jnp.maximum(deg, 1.0))
    norm = dinv[s] * dinv[d]
    msg = hw[s] * norm[:, None]
    agg = jax.ops.segment_sum(msg, d, num_segments=N)
    return agg + b


def reference(x, edge_index, batch, W1, b1, W2, b2, Wl, bl):
    src = edge_index[0]
    dst = edge_index[1]
    h = jax.nn.relu(_gcn_conv(x, W1, b1, src, dst))
    h = jax.nn.relu(_gcn_conv(h, W2, b2, src, dst))
    # global_mean_pool over graph ids in `batch`
    counts = jax.ops.segment_sum(jnp.ones((N,), dtype=h.dtype), batch, num_segments=G)
    pooled = jax.ops.segment_sum(h, batch, num_segments=G) / jnp.maximum(counts, 1.0)[:, None]
    return pooled @ Wl + bl

if __name__ == "__main__":
    import jax
    _d = setup_inputs()
    print(jax.jit(kernel)(*tuple(_d.values())))

</pallas_src>

<mosaic_0001>
#map = affine_map<(d0, d1) -> (0, 0, 0)>
#map1 = affine_map<(d0, d1) -> (0, 0)>
module attributes {stable_mosaic.version = 14 : i64} {
  func.func @_deg_body(%arg0: i32, %arg1: i32, %arg2: memref<32x250x40xi32, #tpu.memory_space<hbm>>, %arg3: memref<40x16xf32, #tpu.memory_space<hbm>>, %arg4: memref<10240x16xf32, #tpu.memory_space<hbm>>, %arg5: memref<2x10240x16xf32, #tpu.memory_space<hbm>>, %arg6: memref<10240x16xf32, #tpu.memory_space<vmem_shared>>, %arg7: memref<250x40xi32, #tpu.memory_space<vmem>>, %arg8: memref<40x16xf32, #tpu.memory_space<vmem>>, %arg9: memref<!tpu.dma_semaphore, #tpu.memory_space<semaphore_mem>>) attributes {dimension_semantics = [#tpu.dimension_semantics<core_parallel>, #tpu.dimension_semantics<subcore_parallel>], iteration_bounds = array<i64: 2, 16>, scalar_prefetch = 0 : i64, scratch_operands = 4 : i64, tpu.core_type = #tpu.core_type<sc_vector_subcore>, window_params = [{transform_indices = #map}, {transform_indices = #map1}, {transform_indices = #map1}, {transform_indices = #map}]} {
    %mul3A = arith.constant 16 : i32
    %mul3A_0 = arith.muli %arg0, %mul3A : i32
    %add3A = arith.addi %mul3A_0, %arg1 : i32
    %mul3A_1 = arith.constant 640 : i32
    %mul3A_2 = arith.muli %arg1, %mul3A_1 : i32
    %dma_start3A = arith.constant 0 : i32
    %dma_start3A_3 = tpu.memref_slice %arg6[%mul3A_2, %dma_start3A] : memref<10240x16xf32, #tpu.memory_space<vmem_shared>> -> memref<640x16xf32, #tpu.memory_space<vmem_shared>>
    %dma_start3A_4 = arith.constant 0 : i32
    %dma_start3A_5 = tpu.memref_slice %arg4[%mul3A_2, %dma_start3A_4] : memref<10240x16xf32, #tpu.memory_space<hbm>> -> memref<640x16xf32, #tpu.memory_space<hbm>>
    tpu.enqueue_dma source(%dma_start3A_5 : memref<640x16xf32, #tpu.memory_space<hbm>>) target(%dma_start3A_3 : memref<640x16xf32, #tpu.memory_space<vmem_shared>>) target_semaphore(%arg9 : memref<!tpu.dma_semaphore, #tpu.memory_space<semaphore_mem>>)
    "tpu.region"() ({
      %run_scoped3A = tpu.sem_alloc : memref<!tpu.dma_semaphore, #tpu.memory_space<semaphore_mem>>
      %dma_start3A_15 = arith.constant 0 : i32
      %dma_start3A_16 = arith.constant 0 : i32
      %dma_start3A_17 = tpu.memref_slice %arg2[%add3A, %dma_start3A_15, %dma_start3A_16] : memref<32x250x40xi32, #tpu.memory_space<hbm>> -> memref<1x250x40xi32, #tpu.memory_space<hbm>>
      %dma_start3A_18 = tpu.memref_squeeze %dma_start3A_17 : memref<1x250x40xi32, #tpu.memory_space<hbm>> -> memref<250x40xi32, #tpu.memory_space<hbm>>
      %dma_start3A_19 = arith.constant 0 : i32
      %dma_start3A_20 = arith.constant 0 : i32
      %dma_start3A_21 = tpu.memref_slice %arg2[%add3A, %dma_start3A_19, %dma_start3A_20] : memref<32x250x40xi32, #tpu.memory_space<hbm>> -> memref<1x250x40xi32, #tpu.memory_space<hbm>>
      %dma_start3A_22 = tpu.memref_squeeze %dma_start3A_21 : memref<1x250x40xi32, #tpu.memory_space<hbm>> -> memref<250x40xi32, #tpu.memory_space<hbm>>
      tpu.enqueue_dma source(%dma_start3A_22 : memref<250x40xi32, #tpu.memory_space<hbm>>) target(%arg7 : memref<250x40xi32, #tpu.memory_space<vmem>>) target_semaphore(%run_scoped3A : memref<!tpu.dma_semaphore, #tpu.memory_space<semaphore_mem>>)
      %dma_wait3A_23 = arith.constant 0 : i32
      %dma_wait3A_24 = arith.constant 0 : i32
      %dma_wait3A_25 = tpu.memref_slice %arg2[%add3A, %dma_wait3A_23, %dma_wait3A_24] : memref<32x250x40xi32, #tpu.memory_space<hbm>> -> memref<1x250x40xi32, #tpu.memory_space<hbm>>
      %dma_wait3A_26 = tpu.memref_squeeze %dma_wait3A_25 : memref<1x250x40xi32, #tpu.memory_space<hbm>> -> memref<250x40xi32, #tpu.memory_space<hbm>>
      %dma_wait3A_27 = arith.constant 0 : i32
      %dma_wait3A_28 = arith.constant 0 : i32
      %dma_wait3A_29 = tpu.memref_slice %arg2[%add3A, %dma_wait3A_27, %dma_wait3A_28] : memref<32x250x40xi32, #tpu.memory_space<hbm>> -> memref<1x250x40xi32, #tpu.memory_space<hbm>>
      %dma_wait3A_30 = tpu.memref_squeeze %dma_wait3A_29 : memref<1x250x40xi32, #tpu.memory_space<hbm>> -> memref<250x40xi32, #tpu.memory_space<hbm>>
      tpu.wait_dma2 semaphore(%run_scoped3A : memref<!tpu.dma_semaphore, #tpu.memory_space<semaphore_mem>>) src(%dma_wait3A_30 : memref<250x40xi32, #tpu.memory_space<hbm>>) dst(%arg7 : memref<250x40xi32, #tpu.memory_space<vmem>>)
      tpu.yield
    }) : () -> ()
    "tpu.region"() ({
      %run_scoped3A = tpu.sem_alloc : memref<!tpu.dma_semaphore, #tpu.memory_space<semaphore_mem>>
      tpu.enqueue_dma source(%arg3 : memref<40x16xf32, #tpu.memory_space<hbm>>) target(%arg8 : memref<40x16xf32, #tpu.memory_space<vmem>>) target_semaphore(%run_scoped3A : memref<!tpu.dma_semaphore, #tpu.memory_space<semaphore_mem>>)
      tpu.wait_dma2 semaphore(%run_scoped3A : memref<!tpu.dma_semaphore, #tpu.memory_space<semaphore_mem>>) src(%arg3 : memref<40x16xf32, #tpu.memory_space<hbm>>) dst(%arg8 : memref<40x16xf32, #tpu.memory_space<vmem>>)
      tpu.yield
    }) : () -> ()
    %dma_wait3A = arith.constant 0 : i32
    %dma_wait3A_6 = tpu.memref_slice %arg6[%mul3A_2, %dma_wait3A] : memref<10240x16xf32, #tpu.memory_space<vmem_shared>> -> memref<640x16xf32, #tpu.memory_space<vmem_shared>>
    %dma_wait3A_7 = arith.constant 0 : i32
    %dma_wait3A_8 = tpu.memref_slice %arg4[%mul3A_2, %dma_wait3A_7] : memref<10240x16xf32, #tpu.memory_space<hbm>> -> memref<640x16xf32, #tpu.memory_space<hbm>>
    tpu.wait_dma2 semaphore(%arg9 : memref<!tpu.dma_semaphore, #tpu.memory_space<semaphore_mem>>) src(%dma_wait3A_8 : memref<640x16xf32, #tpu.memory_space<hbm>>) dst(%dma_wait3A_6 : memref<640x16xf32, #tpu.memory_space<vmem_shared>>)
    %barrier3A = arith.constant 0 : index
    tpu.barrier barrier_id(%barrier3A)
    %scan3A = arith.constant 0 : i32
    %scan3A_9 = arith.constant 0 : i32
    %scan3A_10 = arith.constant 250 : i32
    %scan3A_11 = arith.addi %scan3A_9, %scan3A_10 : i32
    %scan3A_12 = arith.constant 1 : i32
    scf.for %scan3A_15 = %scan3A_9 to %scan3A_11 step %scan3A_12  : i32 {
      "tpu.region"() ({
        %run_scoped3A = tpu.sem_alloc : memref<!tpu.dma_semaphore, #tpu.memory_space<semaphore_mem>>
        %dma_start3A_16 = arith.constant 0 : i32
        %dma_start3A_17 = tpu.memref_slice %arg7[%scan3A_15, %dma_start3A_16] : memref<250x40xi32, #tpu.memory_space<vmem>> -> memref<1x40xi32, #tpu.memory_space<vmem>>
        %dma_start3A_18 = tpu.memref_squeeze %dma_start3A_17 : memref<1x40xi32, #tpu.memory_space<vmem>> -> memref<40xi32, #tpu.memory_space<vmem>>
        %dma_start3A_19 = arith.constant 0 : i32
        %dma_start3A_20 = arith.constant 0 : i32
        %dma_start3A_21 = tpu.memref_slice %arg6[%dma_start3A_19, %dma_start3A_20] : memref<10240x16xf32, #tpu.memory_space<vmem_shared>> -> memref<10240x16xf32, #tpu.memory_space<vmem_shared>>
        tpu.enqueue_indirect_dma source(%arg8 : memref<40x16xf32, #tpu.memory_space<vmem>>) target(%dma_start3A_21 : memref<10240x16xf32, #tpu.memory_space<vmem_shared>>) offsets(%dma_start3A_18 : memref<40xi32, #tpu.memory_space<vmem>>) semaphore(%run_scoped3A : memref<!tpu.dma_semaphore, #tpu.memory_space<semaphore_mem>>) {add = true}
        %dma_wait3A_22 = arith.constant 0 : i32
        %dma_wait3A_23 = tpu.memref_slice %arg7[%scan3A_15, %dma_wait3A_22] : memref<250x40xi32, #tpu.memory_space<vmem>> -> memref<1x40xi32, #tpu.memory_space<vmem>>
        %dma_wait3A_24 = tpu.memref_squeeze %dma_wait3A_23 : memref<1x40xi32, #tpu.memory_space<vmem>> -> memref<40xi32, #tpu.memory_space<vmem>>
        %dma_wait3A_25 = arith.constant 0 : i32
        %dma_wait3A_26 = arith.constant 0 : i32
        %dma_wait3A_27 = tpu.memref_slice %arg6[%dma_wait3A_25, %dma_wait3A_26] : memref<10240x16xf32, #tpu.memory_space<vmem_shared>> -> memref<10240x16xf32, #tpu.memory_space<vmem_shared>>
        tpu.wait_indirect_dma semaphore(%run_scoped3A : memref<!tpu.dma_semaphore, #tpu.memory_space<semaphore_mem>>) src(%arg8 : memref<40x16xf32, #tpu.memory_space<vmem>>) dst(%dma_wait3A_27 : memref<10240x16xf32, #tpu.memory_space<vmem_shared>>)
        tpu.yield
      }) : () -> ()
    }
    %scan3A_13 = arith.constant 250 : i32
    %barrier3A_14 = arith.constant 0 : index
    tpu.barrier barrier_id(%barrier3A_14)
    "tpu.region"() ({
      %run_scoped3A = tpu.sem_alloc : memref<!tpu.dma_semaphore, #tpu.memory_space<semaphore_mem>>
      %dma_start3A_15 = arith.constant 0 : i32
      %dma_start3A_16 = tpu.memref_slice %arg5[%arg0, %mul3A_2, %dma_start3A_15] : memref<2x10240x16xf32, #tpu.memory_space<hbm>> -> memref<1x640x16xf32, #tpu.memory_space<hbm>>
      %dma_start3A_17 = tpu.memref_squeeze %dma_start3A_16 : memref<1x640x16xf32, #tpu.memory_space<hbm>> -> memref<640x16xf32, #tpu.memory_space<hbm>>
      %dma_start3A_18 = arith.constant 0 : i32
      %dma_start3A_19 = tpu.memref_slice %arg6[%mul3A_2, %dma_start3A_18] : memref<10240x16xf32, #tpu.memory_space<vmem_shared>> -> memref<640x16xf32, #tpu.memory_space<vmem_shared>>
      tpu.enqueue_dma source(%dma_start3A_19 : memref<640x16xf32, #tpu.memory_space<vmem_shared>>) target(%dma_start3A_17 : memref<640x16xf32, #tpu.memory_space<hbm>>) target_semaphore(%run_scoped3A : memref<!tpu.dma_semaphore, #tpu.memory_space<semaphore_mem>>)
      %dma_wait3A_20 = arith.constant 0 : i32
      %dma_wait3A_21 = tpu.memref_slice %arg5[%arg0, %mul3A_2, %dma_wait3A_20] : memref<2x10240x16xf32, #tpu.memory_space<hbm>> -> memref<1x640x16xf32, #tpu.memory_space<hbm>>
      %dma_wait3A_22 = tpu.memref_squeeze %dma_wait3A_21 : memref<1x640x16xf32, #tpu.memory_space<hbm>> -> memref<640x16xf32, #tpu.memory_space<hbm>>
      %dma_wait3A_23 = arith.constant 0 : i32
      %dma_wait3A_24 = tpu.memref_slice %arg6[%mul3A_2, %dma_wait3A_23] : memref<10240x16xf32, #tpu.memory_space<vmem_shared>> -> memref<640x16xf32, #tpu.memory_space<vmem_shared>>
      tpu.wait_dma2 semaphore(%run_scoped3A : memref<!tpu.dma_semaphore, #tpu.memory_space<semaphore_mem>>) src(%dma_wait3A_24 : memref<640x16xf32, #tpu.memory_space<vmem_shared>>) dst(%dma_wait3A_22 : memref<640x16xf32, #tpu.memory_space<hbm>>)
      tpu.yield
    }) : () -> ()
    return
  }
}

#map = affine_map<(d0, d1) -> (0, 0)>
#map1 = affine_map<(d0, d1) -> (0, 0, 0)>
module attributes {stable_mosaic.version = 14 : i64} {
  func.func @_row_body(%arg0: i32, %arg1: i32, %arg2: memref<10240x128xf32, #tpu.memory_space<hbm>>, %arg3: memref<32x250x40xi32, #tpu.memory_space<hbm>>, %arg4: memref<32x250x40xi32, #tpu.memory_space<hbm>>, %arg5: memref<10240x128xf32, #tpu.memory_space<hbm>>, %arg6: memref<2x10240x128xf32, #tpu.memory_space<hbm>>, %arg7: memref<10240x128xf32, #tpu.memory_space<vmem_shared>>, %arg8: memref<250x40xi32, #tpu.memory_space<vmem>>, %arg9: memref<250x40xi32, #tpu.memory_space<vmem>>, %arg10: memref<40x128xf32, #tpu.memory_space<vmem>>, %arg11: memref<40x128xf32, #tpu.memory_space<vmem>>, %arg12: memref<40x128xf32, #tpu.memory_space<vmem>>, %arg13: memref<40x128xf32, #tpu.memory_space<vmem>>, %arg14: memref<40x128xf32, #tpu.memory_space<vmem>>, %arg15: memref<!tpu.dma_semaphore, #tpu.memory_space<semaphore_mem>>, %arg16: memref<!tpu.dma_semaphore, #tpu.memory_space<semaphore_mem>>, %arg17: memref<!tpu.dma_semaphore, #tpu.memory_space<semaphore_mem>>, %arg18: memref<!tpu.dma_semaphore, #tpu.memory_space<semaphore_mem>>, %arg19: memref<!tpu.dma_semaphore, #tpu.memory_space<semaphore_mem>>) attributes {dimension_semantics = [#tpu.dimension_semantics<core_parallel>, #tpu.dimension_semantics<subcore_parallel>], iteration_bounds = array<i64: 2, 16>, scalar_prefetch = 0 : i64, scratch_operands = 13 : i64, tpu.core_type = #tpu.core_type<sc_vector_subcore>, window_params = [{transform_indices = #map}, {transform_indices = #map1}, {transform_indices = #map1}, {transform_indices = #map}, {transform_indices = #map1}]} {
    %mul3A = arith.constant 16 : i32
    %mul3A_0 = arith.muli %arg0, %mul3A : i32
    %add3A = arith.addi %mul3A_0, %arg1 : i32
    %mul3A_1 = arith.constant 640 : i32
    %mul3A_2 = arith.muli %arg1, %mul3A_1 : i32
    %dma_start3A = arith.constant 0 : i32
    %dma_start3A_3 = tpu.memref_slice %arg7[%mul3A_2, %dma_start3A] : memref<10240x128xf32, #tpu.memory_space<vmem_shared>> -> memref<640x128xf32, #tpu.memory_space<vmem_shared>>
    %dma_start3A_4 = arith.constant 0 : i32
    %dma_start3A_5 = tpu.memref_slice %arg5[%mul3A_2, %dma_start3A_4] : memref<10240x128xf32, #tpu.memory_space<hbm>> -> memref<640x128xf32, #tpu.memory_space<hbm>>
    tpu.enqueue_dma source(%dma_start3A_5 : memref<640x128xf32, #tpu.memory_space<hbm>>) target(%dma_start3A_3 : memref<640x128xf32, #tpu.memory_space<vmem_shared>>) target_semaphore(%arg15 : memref<!tpu.dma_semaphore, #tpu.memory_space<semaphore_mem>>)
    "tpu.region"() ({
      %run_scoped3A = tpu.sem_alloc : memref<!tpu.dma_semaphore, #tpu.memory_space<semaphore_mem>>
      %dma_start3A_43 = arith.constant 0 : i32
      %dma_start3A_44 = arith.constant 0 : i32
      %dma_start3A_45 = tpu.memref_slice %arg3[%add3A, %dma_start3A_43, %dma_start3A_44] : memref<32x250x40xi32, #tpu.memory_space<hbm>> -> memref<1x250x40xi32, #tpu.memory_space<hbm>>
      %dma_start3A_46 = tpu.memref_squeeze %dma_start3A_45 : memref<1x250x40xi32, #tpu.memory_space<hbm>> -> memref<250x40xi32, #tpu.memory_space<hbm>>
      %dma_start3A_47 = arith.constant 0 : i32
      %dma_start3A_48 = arith.constant 0 : i32
      %dma_start3A_49 = tpu.memref_slice %arg3[%add3A, %dma_start3A_47, %dma_start3A_48] : memref<32x250x40xi32, #tpu.memory_space<hbm>> -> memref<1x250x40xi32, #tpu.memory_space<hbm>>
      %dma_start3A_50 = tpu.memref_squeeze %dma_start3A_49 : memref<1x250x40xi32, #tpu.memory_space<hbm>> -> memref<250x40xi32, #tpu.memory_space<hbm>>
      tpu.enqueue_dma source(%dma_start3A_50 : memref<250x40xi32, #tpu.memory_space<hbm>>) target(%arg8 : memref<250x40xi32, #tpu.memory_space<vmem>>) target_semaphore(%run_scoped3A : memref<!tpu.dma_semaphore, #tpu.memory_space<semaphore_mem>>)
      %dma_wait3A_51 = arith.constant 0 : i32
      %dma_wait3A_52 = arith.constant 0 : i32
      %dma_wait3A_53 = tpu.memref_slice %arg3[%add3A, %dma_wait3A_51, %dma_wait3A_52] : memref<32x250x40xi32, #tpu.memory_space<hbm>> -> memref<1x250x40xi32, #tpu.memory_space<hbm>>
      %dma_wait3A_54 = tpu.memref_squeeze %dma_wait3A_53 : memref<1x250x40xi32, #tpu.memory_space<hbm>> -> memref<250x40xi32, #tpu.memory_space<hbm>>
      %dma_wait3A_55 = arith.constant 0 : i32
      %dma_wait3A_56 = arith.constant 0 : i32
      %dma_wait3A_57 = tpu.memref_slice %arg3[%add3A, %dma_wait3A_55, %dma_wait3A_56] : memref<32x250x40xi32, #tpu.memory_space<hbm>> -> memref<1x250x40xi32, #tpu.memory_space<hbm>>
      %dma_wait3A_58 = tpu.memref_squeeze %dma_wait3A_57 : memref<1x250x40xi32, #tpu.memory_space<hbm>> -> memref<250x40xi32, #tpu.memory_space<hbm>>
      tpu.wait_dma2 semaphore(%run_scoped3A : memref<!tpu.dma_semaphore, #tpu.memory_space<semaphore_mem>>) src(%dma_wait3A_58 : memref<250x40xi32, #tpu.memory_space<hbm>>) dst(%arg8 : memref<250x40xi32, #tpu.memory_space<vmem>>)
      tpu.yield
    }) : () -> ()
    "tpu.region"() ({
      %run_scoped3A = tpu.sem_alloc : memref<!tpu.dma_semaphore, #tpu.memory_space<semaphore_mem>>
      %dma_start3A_43 = arith.constant 0 : i32
      %dma_start3A_44 = arith.constant 0 : i32
      %dma_start3A_45 = tpu.memref_slice %arg4[%add3A, %dma_start3A_43, %dma_start3A_44] : memref<32x250x40xi32, #tpu.memory_space<hbm>> -> memref<1x250x40xi32, #tpu.memory_space<hbm>>
      %dma_start3A_46 = tpu.memref_squeeze %dma_start3A_45 : memref<1x250x40xi32, #tpu.memory_space<hbm>> -> memref<250x40xi32, #tpu.memory_space<hbm>>
      %dma_start3A_47 = arith.constant 0 : i32
      %dma_start3A_48 = arith.constant 0 : i32
      %dma_start3A_49 = tpu.memref_slice %arg4[%add3A, %dma_start3A_47, %dma_start3A_48] : memref<32x250x40xi32, #tpu.memory_space<hbm>> -> memref<1x250x40xi32, #tpu.memory_space<hbm>>
      %dma_start3A_50 = tpu.memref_squeeze %dma_start3A_49 : memref<1x250x40xi32, #tpu.memory_space<hbm>> -> memref<250x40xi32, #tpu.memory_space<hbm>>
      tpu.enqueue_dma source(%dma_start3A_50 : memref<250x40xi32, #tpu.memory_space<hbm>>) target(%arg9 : memref<250x40xi32, #tpu.memory_space<vmem>>) target_semaphore(%run_scoped3A : memref<!tpu.dma_semaphore, #tpu.memory_space<semaphore_mem>>)
      %dma_wait3A_51 = arith.constant 0 : i32
      %dma_wait3A_52 = arith.constant 0 : i32
      %dma_wait3A_53 = tpu.memref_slice %arg4[%add3A, %dma_wait3A_51, %dma_wait3A_52] : memref<32x250x40xi32, #tpu.memory_space<hbm>> -> memref<1x250x40xi32, #tpu.memory_space<hbm>>
      %dma_wait3A_54 = tpu.memref_squeeze %dma_wait3A_53 : memref<1x250x40xi32, #tpu.memory_space<hbm>> -> memref<250x40xi32, #tpu.memory_space<hbm>>
      %dma_wait3A_55 = arith.constant 0 : i32
      %dma_wait3A_56 = arith.constant 0 : i32
      %dma_wait3A_57 = tpu.memref_slice %arg4[%add3A, %dma_wait3A_55, %dma_wait3A_56] : memref<32x250x40xi32, #tpu.memory_space<hbm>> -> memref<1x250x40xi32, #tpu.memory_space<hbm>>
      %dma_wait3A_58 = tpu.memref_squeeze %dma_wait3A_57 : memref<1x250x40xi32, #tpu.memory_space<hbm>> -> memref<250x40xi32, #tpu.memory_space<hbm>>
      tpu.wait_dma2 semaphore(%run_scoped3A : memref<!tpu.dma_semaphore, #tpu.memory_space<semaphore_mem>>) src(%dma_wait3A_58 : memref<250x40xi32, #tpu.memory_space<hbm>>) dst(%arg9 : memref<250x40xi32, #tpu.memory_space<vmem>>)
      tpu.yield
    }) : () -> ()
    %dma_wait3A = arith.constant 0 : i32
    %dma_wait3A_6 = tpu.memref_slice %arg7[%mul3A_2, %dma_wait3A] : memref<10240x128xf32, #tpu.memory_space<vmem_shared>> -> memref<640x128xf32, #tpu.memory_space<vmem_shared>>
    %dma_wait3A_7 = arith.constant 0 : i32
    %dma_wait3A_8 = tpu.memref_slice %arg5[%mul3A_2, %dma_wait3A_7] : memref<10240x128xf32, #tpu.memory_space<hbm>> -> memref<640x128xf32, #tpu.memory_space<hbm>>
    tpu.wait_dma2 semaphore(%arg15 : memref<!tpu.dma_semaphore, #tpu.memory_space<semaphore_mem>>) src(%dma_wait3A_8 : memref<640x128xf32, #tpu.memory_space<hbm>>) dst(%dma_wait3A_6 : memref<640x128xf32, #tpu.memory_space<vmem_shared>>)
    %barrier3A = arith.constant 0 : index
    tpu.barrier barrier_id(%barrier3A)
    %dma_start3A_9 = arith.constant 0 : i32
    %dma_start3A_10 = arith.constant 0 : i32
    %dma_start3A_11 = tpu.memref_slice %arg8[%dma_start3A_9, %dma_start3A_10] : memref<250x40xi32, #tpu.memory_space<vmem>> -> memref<1x40xi32, #tpu.memory_space<vmem>>
    %dma_start3A_12 = tpu.memref_squeeze %dma_start3A_11 : memref<1x40xi32, #tpu.memory_space<vmem>> -> memref<40xi32, #tpu.memory_space<vmem>>
    %dma_start3A_13 = arith.constant 0 : i32
    %dma_start3A_14 = arith.constant 0 : i32
    %dma_start3A_15 = tpu.memref_slice %arg2[%dma_start3A_13, %dma_start3A_14] : memref<10240x128xf32, #tpu.memory_space<hbm>> -> memref<10240x128xf32, #tpu.memory_space<hbm>>
    tpu.enqueue_indirect_dma source(%dma_start3A_15 : memref<10240x128xf32, #tpu.memory_space<hbm>>) target(%arg10 : memref<40x128xf32, #tpu.memory_space<vmem>>) offsets(%dma_start3A_12 : memref<40xi32, #tpu.memory_space<vmem>>) semaphore(%arg15 : memref<!tpu.dma_semaphore, #tpu.memory_space<semaphore_mem>>)
    %dma_start3A_16 = arith.constant 1 : i32
    %dma_start3A_17 = arith.constant 0 : i32
    %dma_start3A_18 = tpu.memref_slice %arg8[%dma_start3A_16, %dma_start3A_17] : memref<250x40xi32, #tpu.memory_space<vmem>> -> memref<1x40xi32, #tpu.memory_space<vmem>>
    %dma_start3A_19 = tpu.memref_squeeze %dma_start3A_18 : memref<1x40xi32, #tpu.memory_space<vmem>> -> memref<40xi32, #tpu.memory_space<vmem>>
    %dma_start3A_20 = arith.constant 0 : i32
    %dma_start3A_21 = arith.constant 0 : i32
    %dma_start3A_22 = tpu.memref_slice %arg2[%dma_start3A_20, %dma_start3A_21] : memref<10240x128xf32, #tpu.memory_space<hbm>> -> memref<10240x128xf32, #tpu.memory_space<hbm>>
    tpu.enqueue_indirect_dma source(%dma_start3A_22 : memref<10240x128xf32, #tpu.memory_space<hbm>>) target(%arg11 : memref<40x128xf32, #tpu.memory_space<vmem>>) offsets(%dma_start3A_19 : memref<40xi32, #tpu.memory_space<vmem>>) semaphore(%arg16 : memref<!tpu.dma_semaphore, #tpu.memory_space<semaphore_mem>>)
    %dma_start3A_23 = arith.constant 2 : i32
    %dma_start3A_24 = arith.constant 0 : i32
    %dma_start3A_25 = tpu.memref_slice %arg8[%dma_start3A_23, %dma_start3A_24] : memref<250x40xi32, #tpu.memory_space<vmem>> -> memref<1x40xi32, #tpu.memory_space<vmem>>
    %dma_start3A_26 = tpu.memref_squeeze %dma_start3A_25 : memref<1x40xi32, #tpu.memory_space<vmem>> -> memref<40xi32, #tpu.memory_space<vmem>>
    %dma_start3A_27 = arith.constant 0 : i32
    %dma_start3A_28 = arith.constant 0 : i32
    %dma_start3A_29 = tpu.memref_slice %arg2[%dma_start3A_27, %dma_start3A_28] : memref<10240x128xf32, #tpu.memory_space<hbm>> -> memref<10240x128xf32, #tpu.memory_space<hbm>>
    tpu.enqueue_indirect_dma source(%dma_start3A_29 : memref<10240x128xf32, #tpu.memory_space<hbm>>) target(%arg12 : memref<40x128xf32, #tpu.memory_space<vmem>>) offsets(%dma_start3A_26 : memref<40xi32, #tpu.memory_space<vmem>>) semaphore(%arg17 : memref<!tpu.dma_semaphore, #tpu.memory_space<semaphore_mem>>)
    %dma_start3A_30 = arith.constant 3 : i32
    %dma_start3A_31 = arith.constant 0 : i32
    %dma_start3A_32 = tpu.memref_slice %arg8[%dma_start3A_30, %dma_start3A_31] : memref<250x40xi32, #tpu.memory_space<vmem>> -> memref<1x40xi32, #tpu.memory_space<vmem>>
    %dma_start3A_33 = tpu.memref_squeeze %dma_start3A_32 : memref<1x40xi32, #tpu.memory_space<vmem>> -> memref<40xi32, #tpu.memory_space<vmem>>
    %dma_start3A_34 = arith.constant 0 : i32
    %dma_start3A_35 = arith.constant 0 : i32
    %dma_start3A_36 = tpu.memref_slice %arg2[%dma_start3A_34, %dma_start3A_35] : memref<10240x128xf32, #tpu.memory_space<hbm>> -> memref<10240x128xf32, #tpu.memory_space<hbm>>
    tpu.enqueue_indirect_dma source(%dma_start3A_36 : memref<10240x128xf32, #tpu.memory_space<hbm>>) target(%arg13 : memref<40x128xf32, #tpu.memory_space<vmem>>) offsets(%dma_start3A_33 : memref<40xi32, #tpu.memory_space<vmem>>) semaphore(%arg18 : memref<!tpu.dma_semaphore, #tpu.memory_space<semaphore_mem>>)
    %scan3A = arith.constant 0 : i32
    %scan3A_37 = arith.constant 0 : i32
    %scan3A_38 = arith.constant 50 : i32
    %scan3A_39 = arith.addi %scan3A_37, %scan3A_38 : i32
    %scan3A_40 = arith.constant 1 : i32
    scf.for %scan3A_43 = %scan3A_37 to %scan3A_39 step %scan3A_40  : i32 {
      %mul3A_44 = arith.constant 5 : i32
      %mul3A_45 = arith.muli %mul3A_44, %scan3A_43 : i32
      %add3A_46 = arith.constant 0 : i32
      %add3A_47 = arith.addi %mul3A_45, %add3A_46 : i32
      %add3A_48 = arith.constant 5 : i32
      %add3A_49 = arith.addi %add3A_47, %add3A_48 : i32
      %sub3A = arith.constant 1 : i32
      %sub3A_50 = arith.subi %add3A_49, %sub3A : i32
      %lt3A = arith.constant 250 : i32
      %lt3A_51 = arith.cmpi slt, %sub3A_50, %lt3A : i32
      %convert_element_type3A = arith.extui %lt3A_51 : i1 to i32
      %cond3A = arith.constant 0 : i32
      %cond3A_52 = arith.cmpi ne, %convert_element_type3A, %cond3A : i32
      scf.if %cond3A_52 {
        %add3A_127 = arith.constant 5 : i32
        %add3A_128 = arith.addi %add3A_47, %add3A_127 : i32
        %sub3A_129 = arith.constant 1 : i32
        %sub3A_130 = arith.subi %add3A_128, %sub3A_129 : i32
        %dma_start3A_131 = arith.constant 0 : i32
        %dma_start3A_132 = tpu.memref_slice %arg8[%sub3A_130, %dma_start3A_131] : memref<250x40xi32, #tpu.memory_space<vmem>> -> memref<1x40xi32, #tpu.memory_space<vmem>>
        %dma_start3A_133 = tpu.memref_squeeze %dma_start3A_132 : memref<1x40xi32, #tpu.memory_space<vmem>> -> memref<40xi32, #tpu.memory_space<vmem>>
        %dma_start3A_134 = arith.constant 0 : i32
        %dma_start3A_135 = arith.constant 0 : i32
        %dma_start3A_136 = tpu.memref_slice %arg2[%dma_start3A_134, %dma_start3A_135] : memref<10240x128xf32, #tpu.memory_space<hbm>> -> memref<10240x128xf32, #tpu.memory_space<hbm>>
        tpu.enqueue_indirect_dma source(%dma_start3A_136 : memref<10240x128xf32, #tpu.memory_space<hbm>>) target(%arg14 : memref<40x128xf32, #tpu.memory_space<vmem>>) offsets(%dma_start3A_133 : memref<40xi32, #tpu.memory_space<vmem>>) semaphore(%arg19 : memref<!tpu.dma_semaphore, #tpu.memory_space<semaphore_mem>>)
      } else {
      }
      %dma_wait3A_53 = arith.constant 0 : i32
      %dma_wait3A_54 = tpu.memref_slice %arg8[%add3A_47, %dma_wait3A_53] : memref<250x40xi32, #tpu.memory_space<vmem>> -> memref<1x40xi32, #tpu.memory_space<vmem>>
      %dma_wait3A_55 = tpu.memref_squeeze %dma_wait3A_54 : memref<1x40xi32, #tpu.memory_space<vmem>> -> memref<40xi32, #tpu.memory_space<vmem>>
      %dma_wait3A_56 = arith.constant 0 : i32
      %dma_wait3A_57 = arith.constant 0 : i32
      %dma_wait3A_58 = tpu.memref_slice %arg2[%dma_wait3A_56, %dma_wait3A_57] : memref<10240x128xf32, #tpu.memory_space<hbm>> -> memref<10240x128xf32, #tpu.memory_space<hbm>>
      tpu.wait_indirect_dma semaphore(%arg15 : memref<!tpu.dma_semaphore, #tpu.memory_space<semaphore_mem>>) src(%dma_wait3A_58 : memref<10240x128xf32, #tpu.memory_space<hbm>>) dst(%arg10 : memref<40x128xf32, #tpu.memory_space<vmem>>)
      "tpu.region"() ({
        %run_scoped3A = tpu.sem_alloc : memref<!tpu.dma_semaphore, #tpu.memory_space<semaphore_mem>>
        %dma_start3A_127 = arith.constant 0 : i32
        %dma_start3A_128 = tpu.memref_slice %arg9[%add3A_47, %dma_start3A_127] : memref<250x40xi32, #tpu.memory_space<vmem>> -> memref<1x40xi32, #tpu.memory_space<vmem>>
        %dma_start3A_129 = tpu.memref_squeeze %dma_start3A_128 : memref<1x40xi32, #tpu.memory_space<vmem>> -> memref<40xi32, #tpu.memory_space<vmem>>
        %dma_start3A_130 = arith.constant 0 : i32
        %dma_start3A_131 = arith.constant 0 : i32
        %dma_start3A_132 = tpu.memref_slice %arg7[%dma_start3A_130, %dma_start3A_131] : memref<10240x128xf32, #tpu.memory_space<vmem_shared>> -> memref<10240x128xf32, #tpu.memory_space<vmem_shared>>
        tpu.enqueue_indirect_dma source(%arg10 : memref<40x128xf32, #tpu.memory_space<vmem>>) target(%dma_start3A_132 : memref<10240x128xf32, #tpu.memory_space<vmem_shared>>) offsets(%dma_start3A_129 : memref<40xi32, #tpu.memory_space<vmem>>) semaphore(%run_scoped3A : memref<!tpu.dma_semaphore, #tpu.memory_space<semaphore_mem>>) {add = true}
        %dma_wait3A_133 = arith.constant 0 : i32
        %dma_wait3A_134 = tpu.memref_slice %arg9[%add3A_47, %dma_wait3A_133] : memref<250x40xi32, #tpu.memory_space<vmem>> -> memref<1x40xi32, #tpu.memory_space<vmem>>
        %dma_wait3A_135 = tpu.memref_squeeze %dma_wait3A_134 : memref<1x40xi32, #tpu.memory_space<vmem>> -> memref<40xi32, #tpu.memory_space<vmem>>
        %dma_wait3A_136 = arith.constant 0 : i32
        %dma_wait3A_137 = arith.constant 0 : i32
        %dma_wait3A_138 = tpu.memref_slice %arg7[%dma_wait3A_136, %dma_wait3A_137] : memref<10240x128xf32, #tpu.memory_space<vmem_shared>> -> memref<10240x128xf32, #tpu.memory_space<vmem_shared>>
        tpu.wait_indirect_dma semaphore(%run_scoped3A : memref<!tpu.dma_semaphore, #tpu.memory_space<semaphore_mem>>) src(%arg10 : memref<40x128xf32, #tpu.memory_space<vmem>>) dst(%dma_wait3A_138 : memref<10240x128xf32, #tpu.memory_space<vmem_shared>>)
        tpu.yield
      }) : () -> ()
      %add3A_59 = arith.constant 1 : i32
      %add3A_60 = arith.addi %mul3A_45, %add3A_59 : i32
      %add3A_61 = arith.constant 5 : i32
      %add3A_62 = arith.addi %add3A_60, %add3A_61 : i32
      %sub3A_63 = arith.constant 1 : i32
      %sub3A_64 = arith.subi %add3A_62, %sub3A_63 : i32
      %lt3A_65 = arith.constant 250 : i32
      %lt3A_66 = arith.cmpi slt, %sub3A_64, %lt3A_65 : i32
      %convert_element_type3A_67 = arith.extui %lt3A_66 : i1 to i32
      %cond3A_68 = arith.constant 0 : i32
      %cond3A_69 = arith.cmpi ne, %convert_element_type3A_67, %cond3A_68 : i32
      scf.if %cond3A_69 {
        %add3A_127 = arith.constant 5 : i32
        %add3A_128 = arith.addi %add3A_60, %add3A_127 : i32
        %sub3A_129 = arith.constant 1 : i32
        %sub3A_130 = arith.subi %add3A_128, %sub3A_129 : i32
        %dma_start3A_131 = arith.constant 0 : i32
        %dma_start3A_132 = tpu.memref_slice %arg8[%sub3A_130, %dma_start3A_131] : memref<250x40xi32, #tpu.memory_space<vmem>> -> memref<1x40xi32, #tpu.memory_space<vmem>>
        %dma_start3A_133 = tpu.memref_squeeze %dma_start3A_132 : memref<1x40xi32, #tpu.memory_space<vmem>> -> memref<40xi32, #tpu.memory_space<vmem>>
        %dma_start3A_134 = arith.constant 0 : i32
        %dma_start3A_135 = arith.constant 0 : i32
        %dma_start3A_136 = tpu.memref_slice %arg2[%dma_start3A_134, %dma_start3A_135] : memref<10240x128xf32, #tpu.memory_space<hbm>> -> memref<10240x128xf32, #tpu.memory_space<hbm>>
        tpu.enqueue_indirect_dma source(%dma_start3A_136 : memref<10240x128xf32, #tpu.memory_space<hbm>>) target(%arg10 : memref<40x128xf32, #tpu.memory_space<vmem>>) offsets(%dma_start3A_133 : memref<40xi32, #tpu.memory_space<vmem>>) semaphore(%arg15 : memref<!tpu.dma_semaphore, #tpu.memory_space<semaphore_mem>>)
      } else {
      }
      %dma_wait3A_70 = arith.constant 0 : i32
      %dma_wait3A_71 = tpu.memref_slice %arg8[%add3A_60, %dma_wait3A_70] : memref<250x40xi32, #tpu.memory_space<vmem>> -> memref<1x40xi32, #tpu.memory_space<vmem>>
      %dma_wait3A_72 = tpu.memref_squeeze %dma_wait3A_71 : memref<1x40xi32, #tpu.memory_space<vmem>> -> memref<40xi32, #tpu.memory_space<vmem>>
      %dma_wait3A_73 = arith.constant 0 : i32
      %dma_wait3A_74 = arith.constant 0 : i32
      %dma_wait3A_75 = tpu.memref_slice %arg2[%dma_wait3A_73, %dma_wait3A_74] : memref<10240x128xf32, #tpu.memory_space<hbm>> -> memref<10240x128xf32, #tpu.memory_space<hbm>>
      tpu.wait_indirect_dma semaphore(%arg16 : memref<!tpu.dma_semaphore, #tpu.memory_space<semaphore_mem>>) src(%dma_wait3A_75 : memref<10240x128xf32, #tpu.memory_space<hbm>>) dst(%arg11 : memref<40x128xf32, #tpu.memory_space<vmem>>)
      "tpu.region"() ({
        %run_scoped3A = tpu.sem_alloc : memref<!tpu.dma_semaphore, #tpu.memory_space<semaphore_mem>>
        %dma_start3A_127 = arith.constant 0 : i32
        %dma_start3A_128 = tpu.memref_slice %arg9[%add3A_60, %dma_start3A_127] : memref<250x40xi32, #tpu.memory_space<vmem>> -> memref<1x40xi32, #tpu.memory_space<vmem>>
        %dma_start3A_129 = tpu.memref_squeeze %dma_start3A_128 : memref<1x40xi32, #tpu.memory_space<vmem>> -> memref<40xi32, #tpu.memory_space<vmem>>
        %dma_start3A_130 = arith.constant 0 : i32
        %dma_start3A_131 = arith.constant 0 : i32
        %dma_start3A_132 = tpu.memref_slice %arg7[%dma_start3A_130, %dma_start3A_131] : memref<10240x128xf32, #tpu.memory_space<vmem_shared>> -> memref<10240x128xf32, #tpu.memory_space<vmem_shared>>
        tpu.enqueue_indirect_dma source(%arg11 : memref<40x128xf32, #tpu.memory_space<vmem>>) target(%dma_start3A_132 : memref<10240x128xf32, #tpu.memory_space<vmem_shared>>) offsets(%dma_start3A_129 : memref<40xi32, #tpu.memory_space<vmem>>) semaphore(%run_scoped3A : memref<!tpu.dma_semaphore, #tpu.memory_space<semaphore_mem>>) {add = true}
        %dma_wait3A_133 = arith.constant 0 : i32
        %dma_wait3A_134 = tpu.memref_slice %arg9[%add3A_60, %dma_wait3A_133] : memref<250x40xi32, #tpu.memory_space<vmem>> -> memref<1x40xi32, #tpu.memory_space<vmem>>
        %dma_wait3A_135 = tpu.memref_squeeze %dma_wait3A_134 : memref<1x40xi32, #tpu.memory_space<vmem>> -> memref<40xi32, #tpu.memory_space<vmem>>
        %dma_wait3A_136 = arith.constant 0 : i32
        %dma_wait3A_137 = arith.constant 0 : i32
        %dma_wait3A_138 = tpu.memref_slice %arg7[%dma_wait3A_136, %dma_wait3A_137] : memref<10240x128xf32, #tpu.memory_space<vmem_shared>> -> memref<10240x128xf32, #tpu.memory_space<vmem_shared>>
        tpu.wait_indirect_dma semaphore(%run_scoped3A : memref<!tpu.dma_semaphore, #tpu.memory_space<semaphore_mem>>) src(%arg11 : memref<40x128xf32, #tpu.memory_space<vmem>>) dst(%dma_wait3A_138 : memref<10240x128xf32, #tpu.memory_space<vmem_shared>>)
        tpu.yield
      }) : () -> ()
      %add3A_76 = arith.constant 2 : i32
      %add3A_77 = arith.addi %mul3A_45, %add3A_76 : i32
      %add3A_78 = arith.constant 5 : i32
      %add3A_79 = arith.addi %add3A_77, %add3A_78 : i32
      %sub3A_80 = arith.constant 1 : i32
      %sub3A_81 = arith.subi %add3A_79, %sub3A_80 : i32
      %lt3A_82 = arith.constant 250 : i32
      %lt3A_83 = arith.cmpi slt, %sub3A_81, %lt3A_82 : i32
      %convert_element_type3A_84 = arith.extui %lt3A_83 : i1 to i32
      %cond3A_85 = arith.constant 0 : i32
      %cond3A_86 = arith.cmpi ne, %convert_element_type3A_84, %cond3A_85 : i32
      scf.if %cond3A_86 {
        %add3A_127 = arith.constant 5 : i32
        %add3A_128 = arith.addi %add3A_77, %add3A_127 : i32
        %sub3A_129 = arith.constant 1 : i32
        %sub3A_130 = arith.subi %add3A_128, %sub3A_129 : i32
        %dma_start3A_131 = arith.constant 0 : i32
        %dma_start3A_132 = tpu.memref_slice %arg8[%sub3A_130, %dma_start3A_131] : memref<250x40xi32, #tpu.memory_space<vmem>> -> memref<1x40xi32, #tpu.memory_space<vmem>>
        %dma_start3A_133 = tpu.memref_squeeze %dma_start3A_132 : memref<1x40xi32, #tpu.memory_space<vmem>> -> memref<40xi32, #tpu.memory_space<vmem>>
        %dma_start3A_134 = arith.constant 0 : i32
        %dma_start3A_135 = arith.constant 0 : i32
        %dma_start3A_136 = tpu.memref_slice %arg2[%dma_start3A_134, %dma_start3A_135] : memref<10240x128xf32, #tpu.memory_space<hbm>> -> memref<10240x128xf32, #tpu.memory_space<hbm>>
        tpu.enqueue_indirect_dma source(%dma_start3A_136 : memref<10240x128xf32, #tpu.memory_space<hbm>>) target(%arg11 : memref<40x128xf32, #tpu.memory_space<vmem>>) offsets(%dma_start3A_133 : memref<40xi32, #tpu.memory_space<vmem>>) semaphore(%arg16 : memref<!tpu.dma_semaphore, #tpu.memory_space<semaphore_mem>>)
      } else {
      }
      %dma_wait3A_87 = arith.constant 0 : i32
      %dma_wait3A_88 = tpu.memref_slice %arg8[%add3A_77, %dma_wait3A_87] : memref<250x40xi32, #tpu.memory_space<vmem>> -> memref<1x40xi32, #tpu.memory_space<vmem>>
      %dma_wait3A_89 = tpu.memref_squeeze %dma_wait3A_88 : memref<1x40xi32, #tpu.memory_space<vmem>> -> memref<40xi32, #tpu.memory_space<vmem>>
      %dma_wait3A_90 = arith.constant 0 : i32
      %dma_wait3A_91 = arith.constant 0 : i32
      %dma_wait3A_92 = tpu.memref_slice %arg2[%dma_wait3A_90, %dma_wait3A_91] : memref<10240x128xf32, #tpu.memory_space<hbm>> -> memref<10240x128xf32, #tpu.memory_space<hbm>>
      tpu.wait_indirect_dma semaphore(%arg17 : memref<!tpu.dma_semaphore, #tpu.memory_space<semaphore_mem>>) src(%dma_wait3A_92 : memref<10240x128xf32, #tpu.memory_space<hbm>>) dst(%arg12 : memref<40x128xf32, #tpu.memory_space<vmem>>)
      "tpu.region"() ({
        %run_scoped3A = tpu.sem_alloc : memref<!tpu.dma_semaphore, #tpu.memory_space<semaphore_mem>>
        %dma_start3A_127 = arith.constant 0 : i32
        %dma_start3A_128 = tpu.memref_slice %arg9[%add3A_77, %dma_start3A_127] : memref<250x40xi32, #tpu.memory_space<vmem>> -> memref<1x40xi32, #tpu.memory_space<vmem>>
        %dma_start3A_129 = tpu.memref_squeeze %dma_start3A_128 : memref<1x40xi32, #tpu.memory_space<vmem>> -> memref<40xi32, #tpu.memory_space<vmem>>
        %dma_start3A_130 = arith.constant 0 : i32
        %dma_start3A_131 = arith.constant 0 : i32
        %dma_start3A_132 = tpu.memref_slice %arg7[%dma_start3A_130, %dma_start3A_131] : memref<10240x128xf32, #tpu.memory_space<vmem_shared>> -> memref<10240x128xf32, #tpu.memory_space<vmem_shared>>
        tpu.enqueue_indirect_dma source(%arg12 : memref<40x128xf32, #tpu.memory_space<vmem>>) target(%dma_start3A_132 : memref<10240x128xf32, #tpu.memory_space<vmem_shared>>) offsets(%dma_start3A_129 : memref<40xi32, #tpu.memory_space<vmem>>) semaphore(%run_scoped3A : memref<!tpu.dma_semaphore, #tpu.memory_space<semaphore_mem>>) {add = true}
        %dma_wait3A_133 = arith.constant 0 : i32
        %dma_wait3A_134 = tpu.memref_slice %arg9[%add3A_77, %dma_wait3A_133] : memref<250x40xi32, #tpu.memory_space<vmem>> -> memref<1x40xi32, #tpu.memory_space<vmem>>
        %dma_wait3A_135 = tpu.memref_squeeze %dma_wait3A_134 : memref<1x40xi32, #tpu.memory_space<vmem>> -> memref<40xi32, #tpu.memory_space<vmem>>
        %dma_wait3A_136 = arith.constant 0 : i32
        %dma_wait3A_137 = arith.constant 0 : i32
        %dma_wait3A_138 = tpu.memref_slice %arg7[%dma_wait3A_136, %dma_wait3A_137] : memref<10240x128xf32, #tpu.memory_space<vmem_shared>> -> memref<10240x128xf32, #tpu.memory_space<vmem_shared>>
        tpu.wait_indirect_dma semaphore(%run_scoped3A : memref<!tpu.dma_semaphore, #tpu.memory_space<semaphore_mem>>) src(%arg12 : memref<40x128xf32, #tpu.memory_space<vmem>>) dst(%dma_wait3A_138 : memref<10240x128xf32, #tpu.memory_space<vmem_shared>>)
        tpu.yield
      }) : () -> ()
      %add3A_93 = arith.constant 3 : i32
      %add3A_94 = arith.addi %mul3A_45, %add3A_93 : i32
      %add3A_95 = arith.constant 5 : i32
      %add3A_96 = arith.addi %add3A_94, %add3A_95 : i32
      %sub3A_97 = arith.constant 1 : i32
      %sub3A_98 = arith.subi %add3A_96, %sub3A_97 : i32
      %lt3A_99 = arith.constant 250 : i32
      %lt3A_100 = arith.cmpi slt, %sub3A_98, %lt3A_99 : i32
      %convert_element_type3A_101 = arith.extui %lt3A_100 : i1 to i32
      %cond3A_102 = arith.constant 0 : i32
      %cond3A_103 = arith.cmpi ne, %convert_element_type3A_101, %cond3A_102 : i32
      scf.if %cond3A_103 {
        %add3A_127 = arith.constant 5 : i32
        %add3A_128 = arith.addi %add3A_94, %add3A_127 : i32
        %sub3A_129 = arith.constant 1 : i32
        %sub3A_130 = arith.subi %add3A_128, %sub3A_129 : i32
        %dma_start3A_131 = arith.constant 0 : i32
        %dma_start3A_132 = tpu.memref_slice %arg8[%sub3A_130, %dma_start3A_131] : memref<250x40xi32, #tpu.memory_space<vmem>> -> memref<1x40xi32, #tpu.memory_space<vmem>>
        %dma_start3A_133 = tpu.memref_squeeze %dma_start3A_132 : memref<1x40xi32, #tpu.memory_space<vmem>> -> memref<40xi32, #tpu.memory_space<vmem>>
        %dma_start3A_134 = arith.constant 0 : i32
        %dma_start3A_135 = arith.constant 0 : i32
        %dma_start3A_136 = tpu.memref_slice %arg2[%dma_start3A_134, %dma_start3A_135] : memref<10240x128xf32, #tpu.memory_space<hbm>> -> memref<10240x128xf32, #tpu.memory_space<hbm>>
        tpu.enqueue_indirect_dma source(%dma_start3A_136 : memref<10240x128xf32, #tpu.memory_space<hbm>>) target(%arg12 : memref<40x128xf32, #tpu.memory_space<vmem>>) offsets(%dma_start3A_133 : memref<40xi32, #tpu.memory_space<vmem>>) semaphore(%arg17 : memref<!tpu.dma_semaphore, #tpu.memory_space<semaphore_mem>>)
      } else {
      }
      %dma_wait3A_104 = arith.constant 0 : i32
      %dma_wait3A_105 = tpu.memref_slice %arg8[%add3A_94, %dma_wait3A_104] : memref<250x40xi32, #tpu.memory_space<vmem>> -> memref<1x40xi32, #tpu.memory_space<vmem>>
      %dma_wait3A_106 = tpu.memref_squeeze %dma_wait3A_105 : memref<1x40xi32, #tpu.memory_space<vmem>> -> memref<40xi32, #tpu.memory_space<vmem>>
      %dma_wait3A_107 = arith.constant 0 : i32
      %dma_wait3A_108 = arith.constant 0 : i32
      %dma_wait3A_109 = tpu.memref_slice %arg2[%dma_wait3A_107, %dma_wait3A_108] : memref<10240x128xf32, #tpu.memory_space<hbm>> -> memref<10240x128xf32, #tpu.memory_space<hbm>>
      tpu.wait_indirect_dma semaphore(%arg18 : memref<!tpu.dma_semaphore, #tpu.memory_space<semaphore_mem>>) src(%dma_wait3A_109 : memref<10240x128xf32, #tpu.memory_space<hbm>>) dst(%arg13 : memref<40x128xf32, #tpu.memory_space<vmem>>)
      "tpu.region"() ({
        %run_scoped3A = tpu.sem_alloc : memref<!tpu.dma_semaphore, #tpu.memory_space<semaphore_mem>>
        %dma_start3A_127 = arith.constant 0 : i32
        %dma_start3A_128 = tpu.memref_slice %arg9[%add3A_94, %dma_start3A_127] : memref<250x40xi32, #tpu.memory_space<vmem>> -> memref<1x40xi32, #tpu.memory_space<vmem>>
        %dma_start3A_129 = tpu.memref_squeeze %dma_start3A_128 : memref<1x40xi32, #tpu.memory_space<vmem>> -> memref<40xi32, #tpu.memory_space<vmem>>
        %dma_start3A_130 = arith.constant 0 : i32
        %dma_start3A_131 = arith.constant 0 : i32
        %dma_start3A_132 = tpu.memref_slice %arg7[%dma_start3A_130, %dma_start3A_131] : memref<10240x128xf32, #tpu.memory_space<vmem_shared>> -> memref<10240x128xf32, #tpu.memory_space<vmem_shared>>
        tpu.enqueue_indirect_dma source(%arg13 : memref<40x128xf32, #tpu.memory_space<vmem>>) target(%dma_start3A_132 : memref<10240x128xf32, #tpu.memory_space<vmem_shared>>) offsets(%dma_start3A_129 : memref<40xi32, #tpu.memory_space<vmem>>) semaphore(%run_scoped3A : memref<!tpu.dma_semaphore, #tpu.memory_space<semaphore_mem>>) {add = true}
        %dma_wait3A_133 = arith.constant 0 : i32
        %dma_wait3A_134 = tpu.memref_slice %arg9[%add3A_94, %dma_wait3A_133] : memref<250x40xi32, #tpu.memory_space<vmem>> -> memref<1x40xi32, #tpu.memory_space<vmem>>
        %dma_wait3A_135 = tpu.memref_squeeze %dma_wait3A_134 : memref<1x40xi32, #tpu.memory_space<vmem>> -> memref<40xi32, #tpu.memory_space<vmem>>
        %dma_wait3A_136 = arith.constant 0 : i32
        %dma_wait3A_137 = arith.constant 0 : i32
        %dma_wait3A_138 = tpu.memref_slice %arg7[%dma_wait3A_136, %dma_wait3A_137] : memref<10240x128xf32, #tpu.memory_space<vmem_shared>> -> memref<10240x128xf32, #tpu.memory_space<vmem_shared>>
        tpu.wait_indirect_dma semaphore(%run_scoped3A : memref<!tpu.dma_semaphore, #tpu.memory_space<semaphore_mem>>) src(%arg13 : memref<40x128xf32, #tpu.memory_space<vmem>>) dst(%dma_wait3A_138 : memref<10240x128xf32, #tpu.memory_space<vmem_shared>>)
        tpu.yield
      }) : () -> ()
      %add3A_110 = arith.constant 4 : i32
      %add3A_111 = arith.addi %mul3A_45, %add3A_110 : i32
      %add3A_112 = arith.constant 5 : i32
      %add3A_113 = arith.addi %add3A_111, %add3A_112 : i32
      %sub3A_114 = arith.constant 1 : i32
      %sub3A_115 = arith.subi %add3A_113, %sub3A_114 : i32
      %lt3A_116 = arith.constant 250 : i32
      %lt3A_117 = arith.cmpi slt, %sub3A_115, %lt3A_116 : i32
      %convert_element_type3A_118 = arith.extui %lt3A_117 : i1 to i32
      %cond3A_119 = arith.constant 0 : i32
      %cond3A_120 = arith.cmpi ne, %convert_element_type3A_118, %cond3A_119 : i32
      scf.if %cond3A_120 {
        %add3A_127 = arith.constant 5 : i32
        %add3A_128 = arith.addi %add3A_111, %add3A_127 : i32
        %sub3A_129 = arith.constant 1 : i32
        %sub3A_130 = arith.subi %add3A_128, %sub3A_129 : i32
        %dma_start3A_131 = arith.constant 0 : i32
        %dma_start3A_132 = tpu.memref_slice %arg8[%sub3A_130, %dma_start3A_131] : memref<250x40xi32, #tpu.memory_space<vmem>> -> memref<1x40xi32, #tpu.memory_space<vmem>>
        %dma_start3A_133 = tpu.memref_squeeze %dma_start3A_132 : memref<1x40xi32, #tpu.memory_space<vmem>> -> memref<40xi32, #tpu.memory_space<vmem>>
        %dma_start3A_134 = arith.constant 0 : i32
        %dma_start3A_135 = arith.constant 0 : i32
        %dma_start3A_136 = tpu.memref_slice %arg2[%dma_start3A_134, %dma_start3A_135] : memref<10240x128xf32, #tpu.memory_space<hbm>> -> memref<10240x128xf32, #tpu.memory_space<hbm>>
        tpu.enqueue_indirect_dma source(%dma_start3A_136 : memref<10240x128xf32, #tpu.memory_space<hbm>>) target(%arg13 : memref<40x128xf32, #tpu.memory_space<vmem>>) offsets(%dma_start3A_133 : memref<40xi32, #tpu.memory_space<vmem>>) semaphore(%arg18 : memref<!tpu.dma_semaphore, #tpu.memory_space<semaphore_mem>>)
      } else {
      }
      %dma_wait3A_121 = arith.constant 0 : i32
      %dma_wait3A_122 = tpu.memref_slice %arg8[%add3A_111, %dma_wait3A_121] : memref<250x40xi32, #tpu.memory_space<vmem>> -> memref<1x40xi32, #tpu.memory_space<vmem>>
      %dma_wait3A_123 = tpu.memref_squeeze %dma_wait3A_122 : memref<1x40xi32, #tpu.memory_space<vmem>> -> memref<40xi32, #tpu.memory_space<vmem>>
      %dma_wait3A_124 = arith.constant 0 : i32
      %dma_wait3A_125 = arith.constant 0 : i32
      %dma_wait3A_126 = tpu.memref_slice %arg2[%dma_wait3A_124, %dma_wait3A_125] : memref<10240x128xf32, #tpu.memory_space<hbm>> -> memref<10240x128xf32, #tpu.memory_space<hbm>>
      tpu.wait_indirect_dma semaphore(%arg19 : memref<!tpu.dma_semaphore, #tpu.memory_space<semaphore_mem>>) src(%dma_wait3A_126 : memref<10240x128xf32, #tpu.memory_space<hbm>>) dst(%arg14 : memref<40x128xf32, #tpu.memory_space<vmem>>)
      "tpu.region"() ({
        %run_scoped3A = tpu.sem_alloc : memref<!tpu.dma_semaphore, #tpu.memory_space<semaphore_mem>>
        %dma_start3A_127 = arith.constant 0 : i32
        %dma_start3A_128 = tpu.memref_slice %arg9[%add3A_111, %dma_start3A_127] : memref<250x40xi32, #tpu.memory_space<vmem>> -> memref<1x40xi32, #tpu.memory_space<vmem>>
        %dma_start3A_129 = tpu.memref_squeeze %dma_start3A_128 : memref<1x40xi32, #tpu.memory_space<vmem>> -> memref<40xi32, #tpu.memory_space<vmem>>
        %dma_start3A_130 = arith.constant 0 : i32
        %dma_start3A_131 = arith.constant 0 : i32
        %dma_start3A_132 = tpu.memref_slice %arg7[%dma_start3A_130, %dma_start3A_131] : memref<10240x128xf32, #tpu.memory_space<vmem_shared>> -> memref<10240x128xf32, #tpu.memory_space<vmem_shared>>
        tpu.enqueue_indirect_dma source(%arg14 : memref<40x128xf32, #tpu.memory_space<vmem>>) target(%dma_start3A_132 : memref<10240x128xf32, #tpu.memory_space<vmem_shared>>) offsets(%dma_start3A_129 : memref<40xi32, #tpu.memory_space<vmem>>) semaphore(%run_scoped3A : memref<!tpu.dma_semaphore, #tpu.memory_space<semaphore_mem>>) {add = true}
        %dma_wait3A_133 = arith.constant 0 : i32
        %dma_wait3A_134 = tpu.memref_slice %arg9[%add3A_111, %dma_wait3A_133] : memref<250x40xi32, #tpu.memory_space<vmem>> -> memref<1x40xi32, #tpu.memory_space<vmem>>
        %dma_wait3A_135 = tpu.memref_squeeze %dma_wait3A_134 : memref<1x40xi32, #tpu.memory_space<vmem>> -> memref<40xi32, #tpu.memory_space<vmem>>
        %dma_wait3A_136 = arith.constant 0 : i32
        %dma_wait3A_137 = arith.constant 0 : i32
        %dma_wait3A_138 = tpu.memref_slice %arg7[%dma_wait3A_136, %dma_wait3A_137] : memref<10240x128xf32, #tpu.memory_space<vmem_shared>> -> memref<10240x128xf32, #tpu.memory_space<vmem_shared>>
        tpu.wait_indirect_dma semaphore(%run_scoped3A : memref<!tpu.dma_semaphore, #tpu.memory_space<semaphore_mem>>) src(%arg14 : memref<40x128xf32, #tpu.memory_space<vmem>>) dst(%dma_wait3A_138 : memref<10240x128xf32, #tpu.memory_space<vmem_shared>>)
        tpu.yield
      }) : () -> ()
    }
    %scan3A_41 = arith.constant 50 : i32
    %barrier3A_42 = arith.constant 0 : index
    tpu.barrier barrier_id(%barrier3A_42)
    "tpu.region"() ({
      %run_scoped3A = tpu.sem_alloc : memref<!tpu.dma_semaphore, #tpu.memory_space<semaphore_mem>>
      %dma_start3A_43 = arith.constant 0 : i32
      %dma_start3A_44 = tpu.memref_slice %arg6[%arg0, %mul3A_2, %dma_start3A_43] : memref<2x10240x128xf32, #tpu.memory_space<hbm>> -> memref<1x640x128xf32, #tpu.memory_space<hbm>>
      %dma_start3A_45 = tpu.memref_squeeze %dma_start3A_44 : memref<1x640x128xf32, #tpu.memory_space<hbm>> -> memref<640x128xf32, #tpu.memory_space<hbm>>
      %dma_start3A_46 = arith.constant 0 : i32
      %dma_start3A_47 = tpu.memref_slice %arg7[%mul3A_2, %dma_start3A_46] : memref<10240x128xf32, #tpu.memory_space<vmem_shared>> -> memref<640x128xf32, #tpu.memory_space<vmem_shared>>
      tpu.enqueue_dma source(%dma_start3A_47 : memref<640x128xf32, #tpu.memory_space<vmem_shared>>) target(%dma_start3A_45 : memref<640x128xf32, #tpu.memory_space<hbm>>) target_semaphore(%run_scoped3A : memref<!tpu.dma_semaphore, #tpu.memory_space<semaphore_mem>>)
      %dma_wait3A_48 = arith.constant 0 : i32
      %dma_wait3A_49 = tpu.memref_slice %arg6[%arg0, %mul3A_2, %dma_wait3A_48] : memref<2x10240x128xf32, #tpu.memory_space<hbm>> -> memref<1x640x128xf32, #tpu.memory_space<hbm>>
      %dma_wait3A_50 = tpu.memref_squeeze %dma_wait3A_49 : memref<1x640x128xf32, #tpu.memory_space<hbm>> -> memref<640x128xf32, #tpu.memory_space<hbm>>
      %dma_wait3A_51 = arith.constant 0 : i32
      %dma_wait3A_52 = tpu.memref_slice %arg7[%mul3A_2, %dma_wait3A_51] : memref<10240x128xf32, #tpu.memory_space<vmem_shared>> -> memref<640x128xf32, #tpu.memory_space<vmem_shared>>
      tpu.wait_dma2 semaphore(%run_scoped3A : memref<!tpu.dma_semaphore, #tpu.memory_space<semaphore_mem>>) src(%dma_wait3A_52 : memref<640x128xf32, #tpu.memory_space<vmem_shared>>) dst(%dma_wait3A_50 : memref<640x128xf32, #tpu.memory_space<hbm>>)
      tpu.yield
    }) : () -> ()
    return
  }
}

#map = affine_map<(d0, d1) -> (0, 0)>
#map1 = affine_map<(d0, d1) -> (0, 0, 0)>
module attributes {stable_mosaic.version = 14 : i64} {
  func.func @_row_body(%arg0: i32, %arg1: i32, %arg2: memref<10240x128xf32, #tpu.memory_space<hbm>>, %arg3: memref<32x250x40xi32, #tpu.memory_space<hbm>>, %arg4: memref<32x250x40xi32, #tpu.memory_space<hbm>>, %arg5: memref<10240x128xf32, #tpu.memory_space<hbm>>, %arg6: memref<2x10240x128xf32, #tpu.memory_space<hbm>>, %arg7: memref<10240x128xf32, #tpu.memory_space<vmem_shared>>, %arg8: memref<250x40xi32, #tpu.memory_space<vmem>>, %arg9: memref<250x40xi32, #tpu.memory_space<vmem>>, %arg10: memref<40x128xf32, #tpu.memory_space<vmem>>, %arg11: memref<40x128xf32, #tpu.memory_space<vmem>>, %arg12: memref<40x128xf32, #tpu.memory_space<vmem>>, %arg13: memref<40x128xf32, #tpu.memory_space<vmem>>, %arg14: memref<40x128xf32, #tpu.memory_space<vmem>>, %arg15: memref<!tpu.dma_semaphore, #tpu.memory_space<semaphore_mem>>, %arg16: memref<!tpu.dma_semaphore, #tpu.memory_space<semaphore_mem>>, %arg17: memref<!tpu.dma_semaphore, #tpu.memory_space<semaphore_mem>>, %arg18: memref<!tpu.dma_semaphore, #tpu.memory_space<semaphore_mem>>, %arg19: memref<!tpu.dma_semaphore, #tpu.memory_space<semaphore_mem>>) attributes {dimension_semantics = [#tpu.dimension_semantics<core_parallel>, #tpu.dimension_semantics<subcore_parallel>], iteration_bounds = array<i64: 2, 16>, scalar_prefetch = 0 : i64, scratch_operands = 13 : i64, tpu.core_type = #tpu.core_type<sc_vector_subcore>, window_params = [{transform_indices = #map}, {transform_indices = #map1}, {transform_indices = #map1}, {transform_indices = #map}, {transform_indices = #map1}]} {
    %mul3A = arith.constant 16 : i32
    %mul3A_0 = arith.muli %arg0, %mul3A : i32
    %add3A = arith.addi %mul3A_0, %arg1 : i32
    %mul3A_1 = arith.constant 640 : i32
    %mul3A_2 = arith.muli %arg1, %mul3A_1 : i32
    %dma_start3A = arith.constant 0 : i32
    %dma_start3A_3 = tpu.memref_slice %arg7[%mul3A_2, %dma_start3A] : memref<10240x128xf32, #tpu.memory_space<vmem_shared>> -> memref<640x128xf32, #tpu.memory_space<vmem_shared>>
    %dma_start3A_4 = arith.constant 0 : i32
    %dma_start3A_5 = tpu.memref_slice %arg5[%mul3A_2, %dma_start3A_4] : memref<10240x128xf32, #tpu.memory_space<hbm>> -> memref<640x128xf32, #tpu.memory_space<hbm>>
    tpu.enqueue_dma source(%dma_start3A_5 : memref<640x128xf32, #tpu.memory_space<hbm>>) target(%dma_start3A_3 : memref<640x128xf32, #tpu.memory_space<vmem_shared>>) target_semaphore(%arg15 : memref<!tpu.dma_semaphore, #tpu.memory_space<semaphore_mem>>)
    "tpu.region"() ({
      %run_scoped3A = tpu.sem_alloc : memref<!tpu.dma_semaphore, #tpu.memory_space<semaphore_mem>>
      %dma_start3A_43 = arith.constant 0 : i32
      %dma_start3A_44 = arith.constant 0 : i32
      %dma_start3A_45 = tpu.memref_slice %arg3[%add3A, %dma_start3A_43, %dma_start3A_44] : memref<32x250x40xi32, #tpu.memory_space<hbm>> -> memref<1x250x40xi32, #tpu.memory_space<hbm>>
      %dma_start3A_46 = tpu.memref_squeeze %dma_start3A_45 : memref<1x250x40xi32, #tpu.memory_space<hbm>> -> memref<250x40xi32, #tpu.memory_space<hbm>>
      %dma_start3A_47 = arith.constant 0 : i32
      %dma_start3A_48 = arith.constant 0 : i32
      %dma_start3A_49 = tpu.memref_slice %arg3[%add3A, %dma_start3A_47, %dma_start3A_48] : memref<32x250x40xi32, #tpu.memory_space<hbm>> -> memref<1x250x40xi32, #tpu.memory_space<hbm>>
      %dma_start3A_50 = tpu.memref_squeeze %dma_start3A_49 : memref<1x250x40xi32, #tpu.memory_space<hbm>> -> memref<250x40xi32, #tpu.memory_space<hbm>>
      tpu.enqueue_dma source(%dma_start3A_50 : memref<250x40xi32, #tpu.memory_space<hbm>>) target(%arg8 : memref<250x40xi32, #tpu.memory_space<vmem>>) target_semaphore(%run_scoped3A : memref<!tpu.dma_semaphore, #tpu.memory_space<semaphore_mem>>)
      %dma_wait3A_51 = arith.constant 0 : i32
      %dma_wait3A_52 = arith.constant 0 : i32
      %dma_wait3A_53 = tpu.memref_slice %arg3[%add3A, %dma_wait3A_51, %dma_wait3A_52] : memref<32x250x40xi32, #tpu.memory_space<hbm>> -> memref<1x250x40xi32, #tpu.memory_space<hbm>>
      %dma_wait3A_54 = tpu.memref_squeeze %dma_wait3A_53 : memref<1x250x40xi32, #tpu.memory_space<hbm>> -> memref<250x40xi32, #tpu.memory_space<hbm>>
      %dma_wait3A_55 = arith.constant 0 : i32
      %dma_wait3A_56 = arith.constant 0 : i32
      %dma_wait3A_57 = tpu.memref_slice %arg3[%add3A, %dma_wait3A_55, %dma_wait3A_56] : memref<32x250x40xi32, #tpu.memory_space<hbm>> -> memref<1x250x40xi32, #tpu.memory_space<hbm>>
      %dma_wait3A_58 = tpu.memref_squeeze %dma_wait3A_57 : memref<1x250x40xi32, #tpu.memory_space<hbm>> -> memref<250x40xi32, #tpu.memory_space<hbm>>
      tpu.wait_dma2 semaphore(%run_scoped3A : memref<!tpu.dma_semaphore, #tpu.memory_space<semaphore_mem>>) src(%dma_wait3A_58 : memref<250x40xi32, #tpu.memory_space<hbm>>) dst(%arg8 : memref<250x40xi32, #tpu.memory_space<vmem>>)
      tpu.yield
    }) : () -> ()
    "tpu.region"() ({
      %run_scoped3A = tpu.sem_alloc : memref<!tpu.dma_semaphore, #tpu.memory_space<semaphore_mem>>
      %dma_start3A_43 = arith.constant 0 : i32
      %dma_start3A_44 = arith.constant 0 : i32
      %dma_start3A_45 = tpu.memref_slice %arg4[%add3A, %dma_start3A_43, %dma_start3A_44] : memref<32x250x40xi32, #tpu.memory_space<hbm>> -> memref<1x250x40xi32, #tpu.memory_space<hbm>>
      %dma_start3A_46 = tpu.memref_squeeze %dma_start3A_45 : memref<1x250x40xi32, #tpu.memory_space<hbm>> -> memref<250x40xi32, #tpu.memory_space<hbm>>
      %dma_start3A_47 = arith.constant 0 : i32
      %dma_start3A_48 = arith.constant 0 : i32
      %dma_start3A_49 = tpu.memref_slice %arg4[%add3A, %dma_start3A_47, %dma_start3A_48] : memref<32x250x40xi32, #tpu.memory_space<hbm>> -> memref<1x250x40xi32, #tpu.memory_space<hbm>>
      %dma_start3A_50 = tpu.memref_squeeze %dma_start3A_49 : memref<1x250x40xi32, #tpu.memory_space<hbm>> -> memref<250x40xi32, #tpu.memory_space<hbm>>
      tpu.enqueue_dma source(%dma_start3A_50 : memref<250x40xi32, #tpu.memory_space<hbm>>) target(%arg9 : memref<250x40xi32, #tpu.memory_space<vmem>>) target_semaphore(%run_scoped3A : memref<!tpu.dma_semaphore, #tpu.memory_space<semaphore_mem>>)
      %dma_wait3A_51 = arith.constant 0 : i32
      %dma_wait3A_52 = arith.constant 0 : i32
      %dma_wait3A_53 = tpu.memref_slice %arg4[%add3A, %dma_wait3A_51, %dma_wait3A_52] : memref<32x250x40xi32, #tpu.memory_space<hbm>> -> memref<1x250x40xi32, #tpu.memory_space<hbm>>
      %dma_wait3A_54 = tpu.memref_squeeze %dma_wait3A_53 : memref<1x250x40xi32, #tpu.memory_space<hbm>> -> memref<250x40xi32, #tpu.memory_space<hbm>>
      %dma_wait3A_55 = arith.constant 0 : i32
      %dma_wait3A_56 = arith.constant 0 : i32
      %dma_wait3A_57 = tpu.memref_slice %arg4[%add3A, %dma_wait3A_55, %dma_wait3A_56] : memref<32x250x40xi32, #tpu.memory_space<hbm>> -> memref<1x250x40xi32, #tpu.memory_space<hbm>>
      %dma_wait3A_58 = tpu.memref_squeeze %dma_wait3A_57 : memref<1x250x40xi32, #tpu.memory_space<hbm>> -> memref<250x40xi32, #tpu.memory_space<hbm>>
      tpu.wait_dma2 semaphore(%run_scoped3A : memref<!tpu.dma_semaphore, #tpu.memory_space<semaphore_mem>>) src(%dma_wait3A_58 : memref<250x40xi32, #tpu.memory_space<hbm>>) dst(%arg9 : memref<250x40xi32, #tpu.memory_space<vmem>>)
      tpu.yield
    }) : () -> ()
    %dma_wait3A = arith.constant 0 : i32
    %dma_wait3A_6 = tpu.memref_slice %arg7[%mul3A_2, %dma_wait3A] : memref<10240x128xf32, #tpu.memory_space<vmem_shared>> -> memref<640x128xf32, #tpu.memory_space<vmem_shared>>
    %dma_wait3A_7 = arith.constant 0 : i32
    %dma_wait3A_8 = tpu.memref_slice %arg5[%mul3A_2, %dma_wait3A_7] : memref<10240x128xf32, #tpu.memory_space<hbm>> -> memref<640x128xf32, #tpu.memory_space<hbm>>
    tpu.wait_dma2 semaphore(%arg15 : memref<!tpu.dma_semaphore, #tpu.memory_space<semaphore_mem>>) src(%dma_wait3A_8 : memref<640x128xf32, #tpu.memory_space<hbm>>) dst(%dma_wait3A_6 : memref<640x128xf32, #tpu.memory_space<vmem_shared>>)
    %barrier3A = arith.constant 0 : index
    tpu.barrier barrier_id(%barrier3A)
    %dma_start3A_9 = arith.constant 0 : i32
    %dma_start3A_10 = arith.constant 0 : i32
    %dma_start3A_11 = tpu.memref_slice %arg8[%dma_start3A_9, %dma_start3A_10] : memref<250x40xi32, #tpu.memory_space<vmem>> -> memref<1x40xi32, #tpu.memory_space<vmem>>
    %dma_start3A_12 = tpu.memref_squeeze %dma_start3A_11 : memref<1x40xi32, #tpu.memory_space<vmem>> -> memref<40xi32, #tpu.memory_space<vmem>>
    %dma_start3A_13 = arith.constant 0 : i32
    %dma_start3A_14 = arith.constant 0 : i32
    %dma_start3A_15 = tpu.memref_slice %arg2[%dma_start3A_13, %dma_start3A_14] : memref<10240x128xf32, #tpu.memory_space<hbm>> -> memref<10240x128xf32, #tpu.memory_space<hbm>>
    tpu.enqueue_indirect_dma source(%dma_start3A_15 : memref<10240x128xf32, #tpu.memory_space<hbm>>) target(%arg10 : memref<40x128xf32, #tpu.memory_space<vmem>>) offsets(%dma_start3A_12 : memref<40xi32, #tpu.memory_space<vmem>>) semaphore(%arg15 : memref<!tpu.dma_semaphore, #tpu.memory_space<semaphore_mem>>)
    %dma_start3A_16 = arith.constant 1 : i32
    %dma_start3A_17 = arith.constant 0 : i32
    %dma_start3A_18 = tpu.memref_slice %arg8[%dma_start3A_16, %dma_start3A_17] : memref<250x40xi32, #tpu.memory_space<vmem>> -> memref<1x40xi32, #tpu.memory_space<vmem>>
    %dma_start3A_19 = tpu.memref_squeeze %dma_start3A_18 : memref<1x40xi32, #tpu.memory_space<vmem>> -> memref<40xi32, #tpu.memory_space<vmem>>
    %dma_start3A_20 = arith.constant 0 : i32
    %dma_start3A_21 = arith.constant 0 : i32
    %dma_start3A_22 = tpu.memref_slice %arg2[%dma_start3A_20, %dma_start3A_21] : memref<10240x128xf32, #tpu.memory_space<hbm>> -> memref<10240x128xf32, #tpu.memory_space<hbm>>
    tpu.enqueue_indirect_dma source(%dma_start3A_22 : memref<10240x128xf32, #tpu.memory_space<hbm>>) target(%arg11 : memref<40x128xf32, #tpu.memory_space<vmem>>) offsets(%dma_start3A_19 : memref<40xi32, #tpu.memory_space<vmem>>) semaphore(%arg16 : memref<!tpu.dma_semaphore, #tpu.memory_space<semaphore_mem>>)
    %dma_start3A_23 = arith.constant 2 : i32
    %dma_start3A_24 = arith.constant 0 : i32
    %dma_start3A_25 = tpu.memref_slice %arg8[%dma_start3A_23, %dma_start3A_24] : memref<250x40xi32, #tpu.memory_space<vmem>> -> memref<1x40xi32, #tpu.memory_space<vmem>>
    %dma_start3A_26 = tpu.memref_squeeze %dma_start3A_25 : memref<1x40xi32, #tpu.memory_space<vmem>> -> memref<40xi32, #tpu.memory_space<vmem>>
    %dma_start3A_27 = arith.constant 0 : i32
    %dma_start3A_28 = arith.constant 0 : i32
    %dma_start3A_29 = tpu.memref_slice %arg2[%dma_start3A_27, %dma_start3A_28] : memref<10240x128xf32, #tpu.memory_space<hbm>> -> memref<10240x128xf32, #tpu.memory_space<hbm>>
    tpu.enqueue_indirect_dma source(%dma_start3A_29 : memref<10240x128xf32, #tpu.memory_space<hbm>>) target(%arg12 : memref<40x128xf32, #tpu.memory_space<vmem>>) offsets(%dma_start3A_26 : memref<40xi32, #tpu.memory_space<vmem>>) semaphore(%arg17 : memref<!tpu.dma_semaphore, #tpu.memory_space<semaphore_mem>>)
    %dma_start3A_30 = arith.constant 3 : i32
    %dma_start3A_31 = arith.constant 0 : i32
    %dma_start3A_32 = tpu.memref_slice %arg8[%dma_start3A_30, %dma_start3A_31] : memref<250x40xi32, #tpu.memory_space<vmem>> -> memref<1x40xi32, #tpu.memory_space<vmem>>
    %dma_start3A_33 = tpu.memref_squeeze %dma_start3A_32 : memref<1x40xi32, #tpu.memory_space<vmem>> -> memref<40xi32, #tpu.memory_space<vmem>>
    %dma_start3A_34 = arith.constant 0 : i32
    %dma_start3A_35 = arith.constant 0 : i32
    %dma_start3A_36 = tpu.memref_slice %arg2[%dma_start3A_34, %dma_start3A_35] : memref<10240x128xf32, #tpu.memory_space<hbm>> -> memref<10240x128xf32, #tpu.memory_space<hbm>>
    tpu.enqueue_indirect_dma source(%dma_start3A_36 : memref<10240x128xf32, #tpu.memory_space<hbm>>) target(%arg13 : memref<40x128xf32, #tpu.memory_space<vmem>>) offsets(%dma_start3A_33 : memref<40xi32, #tpu.memory_space<vmem>>) semaphore(%arg18 : memref<!tpu.dma_semaphore, #tpu.memory_space<semaphore_mem>>)
    %scan3A = arith.constant 0 : i32
    %scan3A_37 = arith.constant 0 : i32
    %scan3A_38 = arith.constant 50 : i32
    %scan3A_39 = arith.addi %scan3A_37, %scan3A_38 : i32
    %scan3A_40 = arith.constant 1 : i32
    scf.for %scan3A_43 = %scan3A_37 to %scan3A_39 step %scan3A_40  : i32 {
      %mul3A_44 = arith.constant 5 : i32
      %mul3A_45 = arith.muli %mul3A_44, %scan3A_43 : i32
      %add3A_46 = arith.constant 0 : i32
      %add3A_47 = arith.addi %mul3A_45, %add3A_46 : i32
      %add3A_48 = arith.constant 5 : i32
      %add3A_49 = arith.addi %add3A_47, %add3A_48 : i32
      %sub3A = arith.constant 1 : i32
      %sub3A_50 = arith.subi %add3A_49, %sub3A : i32
      %lt3A = arith.constant 250 : i32
      %lt3A_51 = arith.cmpi slt, %sub3A_50, %lt3A : i32
      %convert_element_type3A = arith.extui %lt3A_51 : i1 to i32
      %cond3A = arith.constant 0 : i32
      %cond3A_52 = arith.cmpi ne, %convert_element_type3A, %cond3A : i32
      scf.if %cond3A_52 {
        %add3A_127 = arith.constant 5 : i32
        %add3A_128 = arith.addi %add3A_47, %add3A_127 : i32
        %sub3A_129 = arith.constant 1 : i32
        %sub3A_130 = arith.subi %add3A_128, %sub3A_129 : i32
        %dma_start3A_131 = arith.constant 0 : i32
        %dma_start3A_132 = tpu.memref_slice %arg8[%sub3A_130, %dma_start3A_131] : memref<250x40xi32, #tpu.memory_space<vmem>> -> memref<1x40xi32, #tpu.memory_space<vmem>>
        %dma_start3A_133 = tpu.memref_squeeze %dma_start3A_132 : memref<1x40xi32, #tpu.memory_space<vmem>> -> memref<40xi32, #tpu.memory_space<vmem>>
        %dma_start3A_134 = arith.constant 0 : i32
        %dma_start3A_135 = arith.constant 0 : i32
        %dma_start3A_136 = tpu.memref_slice %arg2[%dma_start3A_134, %dma_start3A_135] : memref<10240x128xf32, #tpu.memory_space<hbm>> -> memref<10240x128xf32, #tpu.memory_space<hbm>>
        tpu.enqueue_indirect_dma source(%dma_start3A_136 : memref<10240x128xf32, #tpu.memory_space<hbm>>) target(%arg14 : memref<40x128xf32, #tpu.memory_space<vmem>>) offsets(%dma_start3A_133 : memref<40xi32, #tpu.memory_space<vmem>>) semaphore(%arg19 : memref<!tpu.dma_semaphore, #tpu.memory_space<semaphore_mem>>)
      } else {
      }
      %dma_wait3A_53 = arith.constant 0 : i32
      %dma_wait3A_54 = tpu.memref_slice %arg8[%add3A_47, %dma_wait3A_53] : memref<250x40xi32, #tpu.memory_space<vmem>> -> memref<1x40xi32, #tpu.memory_space<vmem>>
      %dma_wait3A_55 = tpu.memref_squeeze %dma_wait3A_54 : memref<1x40xi32, #tpu.memory_space<vmem>> -> memref<40xi32, #tpu.memory_space<vmem>>
      %dma_wait3A_56 = arith.constant 0 : i32
      %dma_wait3A_57 = arith.constant 0 : i32
      %dma_wait3A_58 = tpu.memref_slice %arg2[%dma_wait3A_56, %dma_wait3A_57] : memref<10240x128xf32, #tpu.memory_space<hbm>> -> memref<10240x128xf32, #tpu.memory_space<hbm>>
      tpu.wait_indirect_dma semaphore(%arg15 : memref<!tpu.dma_semaphore, #tpu.memory_space<semaphore_mem>>) src(%dma_wait3A_58 : memref<10240x128xf32, #tpu.memory_space<hbm>>) dst(%arg10 : memref<40x128xf32, #tpu.memory_space<vmem>>)
      "tpu.region"() ({
        %run_scoped3A = tpu.sem_alloc : memref<!tpu.dma_semaphore, #tpu.memory_space<semaphore_mem>>
        %dma_start3A_127 = arith.constant 0 : i32
        %dma_start3A_128 = tpu.memref_slice %arg9[%add3A_47, %dma_start3A_127] : memref<250x40xi32, #tpu.memory_space<vmem>> -> memref<1x40xi32, #tpu.memory_space<vmem>>
        %dma_start3A_129 = tpu.memref_squeeze %dma_start3A_128 : memref<1x40xi32, #tpu.memory_space<vmem>> -> memref<40xi32, #tpu.memory_space<vmem>>
        %dma_start3A_130 = arith.constant 0 : i32
        %dma_start3A_131 = arith.constant 0 : i32
        %dma_start3A_132 = tpu.memref_slice %arg7[%dma_start3A_130, %dma_start3A_131] : memref<10240x128xf32, #tpu.memory_space<vmem_shared>> -> memref<10240x128xf32, #tpu.memory_space<vmem_shared>>
        tpu.enqueue_indirect_dma source(%arg10 : memref<40x128xf32, #tpu.memory_space<vmem>>) target(%dma_start3A_132 : memref<10240x128xf32, #tpu.memory_space<vmem_shared>>) offsets(%dma_start3A_129 : memref<40xi32, #tpu.memory_space<vmem>>) semaphore(%run_scoped3A : memref<!tpu.dma_semaphore, #tpu.memory_space<semaphore_mem>>) {add = true}
        %dma_wait3A_133 = arith.constant 0 : i32
        %dma_wait3A_134 = tpu.memref_slice %arg9[%add3A_47, %dma_wait3A_133] : memref<250x40xi32, #tpu.memory_space<vmem>> -> memref<1x40xi32, #tpu.memory_space<vmem>>
        %dma_wait3A_135 = tpu.memref_squeeze %dma_wait3A_134 : memref<1x40xi32, #tpu.memory_space<vmem>> -> memref<40xi32, #tpu.memory_space<vmem>>
        %dma_wait3A_136 = arith.constant 0 : i32
        %dma_wait3A_137 = arith.constant 0 : i32
        %dma_wait3A_138 = tpu.memref_slice %arg7[%dma_wait3A_136, %dma_wait3A_137] : memref<10240x128xf32, #tpu.memory_space<vmem_shared>> -> memref<10240x128xf32, #tpu.memory_space<vmem_shared>>
        tpu.wait_indirect_dma semaphore(%run_scoped3A : memref<!tpu.dma_semaphore, #tpu.memory_space<semaphore_mem>>) src(%arg10 : memref<40x128xf32, #tpu.memory_space<vmem>>) dst(%dma_wait3A_138 : memref<10240x128xf32, #tpu.memory_space<vmem_shared>>)
        tpu.yield
      }) : () -> ()
      %add3A_59 = arith.constant 1 : i32
      %add3A_60 = arith.addi %mul3A_45, %add3A_59 : i32
      %add3A_61 = arith.constant 5 : i32
      %add3A_62 = arith.addi %add3A_60, %add3A_61 : i32
      %sub3A_63 = arith.constant 1 : i32
      %sub3A_64 = arith.subi %add3A_62, %sub3A_63 : i32
      %lt3A_65 = arith.constant 250 : i32
      %lt3A_66 = arith.cmpi slt, %sub3A_64, %lt3A_65 : i32
      %convert_element_type3A_67 = arith.extui %lt3A_66 : i1 to i32
      %cond3A_68 = arith.constant 0 : i32
      %cond3A_69 = arith.cmpi ne, %convert_element_type3A_67, %cond3A_68 : i32
      scf.if %cond3A_69 {
        %add3A_127 = arith.constant 5 : i32
        %add3A_128 = arith.addi %add3A_60, %add3A_127 : i32
        %sub3A_129 = arith.constant 1 : i32
        %sub3A_130 = arith.subi %add3A_128, %sub3A_129 : i32
        %dma_start3A_131 = arith.constant 0 : i32
        %dma_start3A_132 = tpu.memref_slice %arg8[%sub3A_130, %dma_start3A_131] : memref<250x40xi32, #tpu.memory_space<vmem>> -> memref<1x40xi32, #tpu.memory_space<vmem>>
        %dma_start3A_133 = tpu.memref_squeeze %dma_start3A_132 : memref<1x40xi32, #tpu.memory_space<vmem>> -> memref<40xi32, #tpu.memory_space<vmem>>
        %dma_start3A_134 = arith.constant 0 : i32
        %dma_start3A_135 = arith.constant 0 : i32
        %dma_start3A_136 = tpu.memref_slice %arg2[%dma_start3A_134, %dma_start3A_135] : memref<10240x128xf32, #tpu.memory_space<hbm>> -> memref<10240x128xf32, #tpu.memory_space<hbm>>
        tpu.enqueue_indirect_dma source(%dma_start3A_136 : memref<10240x128xf32, #tpu.memory_space<hbm>>) target(%arg10 : memref<40x128xf32, #tpu.memory_space<vmem>>) offsets(%dma_start3A_133 : memref<40xi32, #tpu.memory_space<vmem>>) semaphore(%arg15 : memref<!tpu.dma_semaphore, #tpu.memory_space<semaphore_mem>>)
      } else {
      }
      %dma_wait3A_70 = arith.constant 0 : i32
      %dma_wait3A_71 = tpu.memref_slice %arg8[%add3A_60, %dma_wait3A_70] : memref<250x40xi32, #tpu.memory_space<vmem>> -> memref<1x40xi32, #tpu.memory_space<vmem>>
      %dma_wait3A_72 = tpu.memref_squeeze %dma_wait3A_71 : memref<1x40xi32, #tpu.memory_space<vmem>> -> memref<40xi32, #tpu.memory_space<vmem>>
      %dma_wait3A_73 = arith.constant 0 : i32
      %dma_wait3A_74 = arith.constant 0 : i32
      %dma_wait3A_75 = tpu.memref_slice %arg2[%dma_wait3A_73, %dma_wait3A_74] : memref<10240x128xf32, #tpu.memory_space<hbm>> -> memref<10240x128xf32, #tpu.memory_space<hbm>>
      tpu.wait_indirect_dma semaphore(%arg16 : memref<!tpu.dma_semaphore, #tpu.memory_space<semaphore_mem>>) src(%dma_wait3A_75 : memref<10240x128xf32, #tpu.memory_space<hbm>>) dst(%arg11 : memref<40x128xf32, #tpu.memory_space<vmem>>)
      "tpu.region"() ({
        %run_scoped3A = tpu.sem_alloc : memref<!tpu.dma_semaphore, #tpu.memory_space<semaphore_mem>>
        %dma_start3A_127 = arith.constant 0 : i32
        %dma_start3A_128 = tpu.memref_slice %arg9[%add3A_60, %dma_start3A_127] : memref<250x40xi32, #tpu.memory_space<vmem>> -> memref<1x40xi32, #tpu.memory_space<vmem>>
        %dma_start3A_129 = tpu.memref_squeeze %dma_start3A_128 : memref<1x40xi32, #tpu.memory_space<vmem>> -> memref<40xi32, #tpu.memory_space<vmem>>
        %dma_start3A_130 = arith.constant 0 : i32
        %dma_start3A_131 = arith.constant 0 : i32
        %dma_start3A_132 = tpu.memref_slice %arg7[%dma_start3A_130, %dma_start3A_131] : memref<10240x128xf32, #tpu.memory_space<vmem_shared>> -> memref<10240x128xf32, #tpu.memory_space<vmem_shared>>
        tpu.enqueue_indirect_dma source(%arg11 : memref<40x128xf32, #tpu.memory_space<vmem>>) target(%dma_start3A_132 : memref<10240x128xf32, #tpu.memory_space<vmem_shared>>) offsets(%dma_start3A_129 : memref<40xi32, #tpu.memory_space<vmem>>) semaphore(%run_scoped3A : memref<!tpu.dma_semaphore, #tpu.memory_space<semaphore_mem>>) {add = true}
        %dma_wait3A_133 = arith.constant 0 : i32
        %dma_wait3A_134 = tpu.memref_slice %arg9[%add3A_60, %dma_wait3A_133] : memref<250x40xi32, #tpu.memory_space<vmem>> -> memref<1x40xi32, #tpu.memory_space<vmem>>
        %dma_wait3A_135 = tpu.memref_squeeze %dma_wait3A_134 : memref<1x40xi32, #tpu.memory_space<vmem>> -> memref<40xi32, #tpu.memory_space<vmem>>
        %dma_wait3A_136 = arith.constant 0 : i32
        %dma_wait3A_137 = arith.constant 0 : i32
        %dma_wait3A_138 = tpu.memref_slice %arg7[%dma_wait3A_136, %dma_wait3A_137] : memref<10240x128xf32, #tpu.memory_space<vmem_shared>> -> memref<10240x128xf32, #tpu.memory_space<vmem_shared>>
        tpu.wait_indirect_dma semaphore(%run_scoped3A : memref<!tpu.dma_semaphore, #tpu.memory_space<semaphore_mem>>) src(%arg11 : memref<40x128xf32, #tpu.memory_space<vmem>>) dst(%dma_wait3A_138 : memref<10240x128xf32, #tpu.memory_space<vmem_shared>>)
        tpu.yield
      }) : () -> ()
      %add3A_76 = arith.constant 2 : i32
      %add3A_77 = arith.addi %mul3A_45, %add3A_76 : i32
      %add3A_78 = arith.constant 5 : i32
      %add3A_79 = arith.addi %add3A_77, %add3A_78 : i32
      %sub3A_80 = arith.constant 1 : i32
      %sub3A_81 = arith.subi %add3A_79, %sub3A_80 : i32
      %lt3A_82 = arith.constant 250 : i32
      %lt3A_83 = arith.cmpi slt, %sub3A_81, %lt3A_82 : i32
      %convert_element_type3A_84 = arith.extui %lt3A_83 : i1 to i32
      %cond3A_85 = arith.constant 0 : i32
      %cond3A_86 = arith.cmpi ne, %convert_element_type3A_84, %cond3A_85 : i32
      scf.if %cond3A_86 {
        %add3A_127 = arith.constant 5 : i32
        %add3A_128 = arith.addi %add3A_77, %add3A_127 : i32
        %sub3A_129 = arith.constant 1 : i32
        %sub3A_130 = arith.subi %add3A_128, %sub3A_129 : i32
        %dma_start3A_131 = arith.constant 0 : i32
        %dma_start3A_132 = tpu.memref_slice %arg8[%sub3A_130, %dma_start3A_131] : memref<250x40xi32, #tpu.memory_space<vmem>> -> memref<1x40xi32, #tpu.memory_space<vmem>>
        %dma_start3A_133 = tpu.memref_squeeze %dma_start3A_132 : memref<1x40xi32, #tpu.memory_space<vmem>> -> memref<40xi32, #tpu.memory_space<vmem>>
        %dma_start3A_134 = arith.constant 0 : i32
        %dma_start3A_135 = arith.constant 0 : i32
        %dma_start3A_136 = tpu.memref_slice %arg2[%dma_start3A_134, %dma_start3A_135] : memref<10240x128xf32, #tpu.memory_space<hbm>> -> memref<10240x128xf32, #tpu.memory_space<hbm>>
        tpu.enqueue_indirect_dma source(%dma_start3A_136 : memref<10240x128xf32, #tpu.memory_space<hbm>>) target(%arg11 : memref<40x128xf32, #tpu.memory_space<vmem>>) offsets(%dma_start3A_133 : memref<40xi32, #tpu.memory_space<vmem>>) semaphore(%arg16 : memref<!tpu.dma_semaphore, #tpu.memory_space<semaphore_mem>>)
      } else {
      }
      %dma_wait3A_87 = arith.constant 0 : i32
      %dma_wait3A_88 = tpu.memref_slice %arg8[%add3A_77, %dma_wait3A_87] : memref<250x40xi32, #tpu.memory_space<vmem>> -> memref<1x40xi32, #tpu.memory_space<vmem>>
      %dma_wait3A_89 = tpu.memref_squeeze %dma_wait3A_88 : memref<1x40xi32, #tpu.memory_space<vmem>> -> memref<40xi32, #tpu.memory_space<vmem>>
      %dma_wait3A_90 = arith.constant 0 : i32
      %dma_wait3A_91 = arith.constant 0 : i32
      %dma_wait3A_92 = tpu.memref_slice %arg2[%dma_wait3A_90, %dma_wait3A_91] : memref<10240x128xf32, #tpu.memory_space<hbm>> -> memref<10240x128xf32, #tpu.memory_space<hbm>>
      tpu.wait_indirect_dma semaphore(%arg17 : memref<!tpu.dma_semaphore, #tpu.memory_space<semaphore_mem>>) src(%dma_wait3A_92 : memref<10240x128xf32, #tpu.memory_space<hbm>>) dst(%arg12 : memref<40x128xf32, #tpu.memory_space<vmem>>)
      "tpu.region"() ({
        %run_scoped3A = tpu.sem_alloc : memref<!tpu.dma_semaphore, #tpu.memory_space<semaphore_mem>>
        %dma_start3A_127 = arith.constant 0 : i32
        %dma_start3A_128 = tpu.memref_slice %arg9[%add3A_77, %dma_start3A_127] : memref<250x40xi32, #tpu.memory_space<vmem>> -> memref<1x40xi32, #tpu.memory_space<vmem>>
        %dma_start3A_129 = tpu.memref_squeeze %dma_start3A_128 : memref<1x40xi32, #tpu.memory_space<vmem>> -> memref<40xi32, #tpu.memory_space<vmem>>
        %dma_start3A_130 = arith.constant 0 : i32
        %dma_start3A_131 = arith.constant 0 : i32
        %dma_start3A_132 = tpu.memref_slice %arg7[%dma_start3A_130, %dma_start3A_131] : memref<10240x128xf32, #tpu.memory_space<vmem_shared>> -> memref<10240x128xf32, #tpu.memory_space<vmem_shared>>
        tpu.enqueue_indirect_dma source(%arg12 : memref<40x128xf32, #tpu.memory_space<vmem>>) target(%dma_start3A_132 : memref<10240x128xf32, #tpu.memory_space<vmem_shared>>) offsets(%dma_start3A_129 : memref<40xi32, #tpu.memory_space<vmem>>) semaphore(%run_scoped3A : memref<!tpu.dma_semaphore, #tpu.memory_space<semaphore_mem>>) {add = true}
        %dma_wait3A_133 = arith.constant 0 : i32
        %dma_wait3A_134 = tpu.memref_slice %arg9[%add3A_77, %dma_wait3A_133] : memref<250x40xi32, #tpu.memory_space<vmem>> -> memref<1x40xi32, #tpu.memory_space<vmem>>
        %dma_wait3A_135 = tpu.memref_squeeze %dma_wait3A_134 : memref<1x40xi32, #tpu.memory_space<vmem>> -> memref<40xi32, #tpu.memory_space<vmem>>
        %dma_wait3A_136 = arith.constant 0 : i32
        %dma_wait3A_137 = arith.constant 0 : i32
        %dma_wait3A_138 = tpu.memref_slice %arg7[%dma_wait3A_136, %dma_wait3A_137] : memref<10240x128xf32, #tpu.memory_space<vmem_shared>> -> memref<10240x128xf32, #tpu.memory_space<vmem_shared>>
        tpu.wait_indirect_dma semaphore(%run_scoped3A : memref<!tpu.dma_semaphore, #tpu.memory_space<semaphore_mem>>) src(%arg12 : memref<40x128xf32, #tpu.memory_space<vmem>>) dst(%dma_wait3A_138 : memref<10240x128xf32, #tpu.memory_space<vmem_shared>>)
        tpu.yield
      }) : () -> ()
      %add3A_93 = arith.constant 3 : i32
      %add3A_94 = arith.addi %mul3A_45, %add3A_93 : i32
      %add3A_95 = arith.constant 5 : i32
      %add3A_96 = arith.addi %add3A_94, %add3A_95 : i32
      %sub3A_97 = arith.constant 1 : i32
      %sub3A_98 = arith.subi %add3A_96, %sub3A_97 : i32
      %lt3A_99 = arith.constant 250 : i32
      %lt3A_100 = arith.cmpi slt, %sub3A_98, %lt3A_99 : i32
      %convert_element_type3A_101 = arith.extui %lt3A_100 : i1 to i32
      %cond3A_102 = arith.constant 0 : i32
      %cond3A_103 = arith.cmpi ne, %convert_element_type3A_101, %cond3A_102 : i32
      scf.if %cond3A_103 {
        %add3A_127 = arith.constant 5 : i32
        %add3A_128 = arith.addi %add3A_94, %add3A_127 : i32
        %sub3A_129 = arith.constant 1 : i32
        %sub3A_130 = arith.subi %add3A_128, %sub3A_129 : i32
        %dma_start3A_131 = arith.constant 0 : i32
        %dma_start3A_132 = tpu.memref_slice %arg8[%sub3A_130, %dma_start3A_131] : memref<250x40xi32, #tpu.memory_space<vmem>> -> memref<1x40xi32, #tpu.memory_space<vmem>>
        %dma_start3A_133 = tpu.memref_squeeze %dma_start3A_132 : memref<1x40xi32, #tpu.memory_space<vmem>> -> memref<40xi32, #tpu.memory_space<vmem>>
        %dma_start3A_134 = arith.constant 0 : i32
        %dma_start3A_135 = arith.constant 0 : i32
        %dma_start3A_136 = tpu.memref_slice %arg2[%dma_start3A_134, %dma_start3A_135] : memref<10240x128xf32, #tpu.memory_space<hbm>> -> memref<10240x128xf32, #tpu.memory_space<hbm>>
        tpu.enqueue_indirect_dma source(%dma_start3A_136 : memref<10240x128xf32, #tpu.memory_space<hbm>>) target(%arg12 : memref<40x128xf32, #tpu.memory_space<vmem>>) offsets(%dma_start3A_133 : memref<40xi32, #tpu.memory_space<vmem>>) semaphore(%arg17 : memref<!tpu.dma_semaphore, #tpu.memory_space<semaphore_mem>>)
      } else {
      }
      %dma_wait3A_104 = arith.constant 0 : i32
      %dma_wait3A_105 = tpu.memref_slice %arg8[%add3A_94, %dma_wait3A_104] : memref<250x40xi32, #tpu.memory_space<vmem>> -> memref<1x40xi32, #tpu.memory_space<vmem>>
      %dma_wait3A_106 = tpu.memref_squeeze %dma_wait3A_105 : memref<1x40xi32, #tpu.memory_space<vmem>> -> memref<40xi32, #tpu.memory_space<vmem>>
      %dma_wait3A_107 = arith.constant 0 : i32
      %dma_wait3A_108 = arith.constant 0 : i32
      %dma_wait3A_109 = tpu.memref_slice %arg2[%dma_wait3A_107, %dma_wait3A_108] : memref<10240x128xf32, #tpu.memory_space<hbm>> -> memref<10240x128xf32, #tpu.memory_space<hbm>>
      tpu.wait_indirect_dma semaphore(%arg18 : memref<!tpu.dma_semaphore, #tpu.memory_space<semaphore_mem>>) src(%dma_wait3A_109 : memref<10240x128xf32, #tpu.memory_space<hbm>>) dst(%arg13 : memref<40x128xf32, #tpu.memory_space<vmem>>)
      "tpu.region"() ({
        %run_scoped3A = tpu.sem_alloc : memref<!tpu.dma_semaphore, #tpu.memory_space<semaphore_mem>>
        %dma_start3A_127 = arith.constant 0 : i32
        %dma_start3A_128 = tpu.memref_slice %arg9[%add3A_94, %dma_start3A_127] : memref<250x40xi32, #tpu.memory_space<vmem>> -> memref<1x40xi32, #tpu.memory_space<vmem>>
        %dma_start3A_129 = tpu.memref_squeeze %dma_start3A_128 : memref<1x40xi32, #tpu.memory_space<vmem>> -> memref<40xi32, #tpu.memory_space<vmem>>
        %dma_start3A_130 = arith.constant 0 : i32
        %dma_start3A_131 = arith.constant 0 : i32
        %dma_start3A_132 = tpu.memref_slice %arg7[%dma_start3A_130, %dma_start3A_131] : memref<10240x128xf32, #tpu.memory_space<vmem_shared>> -> memref<10240x128xf32, #tpu.memory_space<vmem_shared>>
        tpu.enqueue_indirect_dma source(%arg13 : memref<40x128xf32, #tpu.memory_space<vmem>>) target(%dma_start3A_132 : memref<10240x128xf32, #tpu.memory_space<vmem_shared>>) offsets(%dma_start3A_129 : memref<40xi32, #tpu.memory_space<vmem>>) semaphore(%run_scoped3A : memref<!tpu.dma_semaphore, #tpu.memory_space<semaphore_mem>>) {add = true}
        %dma_wait3A_133 = arith.constant 0 : i32
        %dma_wait3A_134 = tpu.memref_slice %arg9[%add3A_94, %dma_wait3A_133] : memref<250x40xi32, #tpu.memory_space<vmem>> -> memref<1x40xi32, #tpu.memory_space<vmem>>
        %dma_wait3A_135 = tpu.memref_squeeze %dma_wait3A_134 : memref<1x40xi32, #tpu.memory_space<vmem>> -> memref<40xi32, #tpu.memory_space<vmem>>
        %dma_wait3A_136 = arith.constant 0 : i32
        %dma_wait3A_137 = arith.constant 0 : i32
        %dma_wait3A_138 = tpu.memref_slice %arg7[%dma_wait3A_136, %dma_wait3A_137] : memref<10240x128xf32, #tpu.memory_space<vmem_shared>> -> memref<10240x128xf32, #tpu.memory_space<vmem_shared>>
        tpu.wait_indirect_dma semaphore(%run_scoped3A : memref<!tpu.dma_semaphore, #tpu.memory_space<semaphore_mem>>) src(%arg13 : memref<40x128xf32, #tpu.memory_space<vmem>>) dst(%dma_wait3A_138 : memref<10240x128xf32, #tpu.memory_space<vmem_shared>>)
        tpu.yield
      }) : () -> ()
      %add3A_110 = arith.constant 4 : i32
      %add3A_111 = arith.addi %mul3A_45, %add3A_110 : i32
      %add3A_112 = arith.constant 5 : i32
      %add3A_113 = arith.addi %add3A_111, %add3A_112 : i32
      %sub3A_114 = arith.constant 1 : i32
      %sub3A_115 = arith.subi %add3A_113, %sub3A_114 : i32
      %lt3A_116 = arith.constant 250 : i32
      %lt3A_117 = arith.cmpi slt, %sub3A_115, %lt3A_116 : i32
      %convert_element_type3A_118 = arith.extui %lt3A_117 : i1 to i32
      %cond3A_119 = arith.constant 0 : i32
      %cond3A_120 = arith.cmpi ne, %convert_element_type3A_118, %cond3A_119 : i32
      scf.if %cond3A_120 {
        %add3A_127 = arith.constant 5 : i32
        %add3A_128 = arith.addi %add3A_111, %add3A_127 : i32
        %sub3A_129 = arith.constant 1 : i32
        %sub3A_130 = arith.subi %add3A_128, %sub3A_129 : i32
        %dma_start3A_131 = arith.constant 0 : i32
        %dma_start3A_132 = tpu.memref_slice %arg8[%sub3A_130, %dma_start3A_131] : memref<250x40xi32, #tpu.memory_space<vmem>> -> memref<1x40xi32, #tpu.memory_space<vmem>>
        %dma_start3A_133 = tpu.memref_squeeze %dma_start3A_132 : memref<1x40xi32, #tpu.memory_space<vmem>> -> memref<40xi32, #tpu.memory_space<vmem>>
        %dma_start3A_134 = arith.constant 0 : i32
        %dma_start3A_135 = arith.constant 0 : i32
        %dma_start3A_136 = tpu.memref_slice %arg2[%dma_start3A_134, %dma_start3A_135] : memref<10240x128xf32, #tpu.memory_space<hbm>> -> memref<10240x128xf32, #tpu.memory_space<hbm>>
        tpu.enqueue_indirect_dma source(%dma_start3A_136 : memref<10240x128xf32, #tpu.memory_space<hbm>>) target(%arg13 : memref<40x128xf32, #tpu.memory_space<vmem>>) offsets(%dma_start3A_133 : memref<40xi32, #tpu.memory_space<vmem>>) semaphore(%arg18 : memref<!tpu.dma_semaphore, #tpu.memory_space<semaphore_mem>>)
      } else {
      }
      %dma_wait3A_121 = arith.constant 0 : i32
      %dma_wait3A_122 = tpu.memref_slice %arg8[%add3A_111, %dma_wait3A_121] : memref<250x40xi32, #tpu.memory_space<vmem>> -> memref<1x40xi32, #tpu.memory_space<vmem>>
      %dma_wait3A_123 = tpu.memref_squeeze %dma_wait3A_122 : memref<1x40xi32, #tpu.memory_space<vmem>> -> memref<40xi32, #tpu.memory_space<vmem>>
      %dma_wait3A_124 = arith.constant 0 : i32
      %dma_wait3A_125 = arith.constant 0 : i32
      %dma_wait3A_126 = tpu.memref_slice %arg2[%dma_wait3A_124, %dma_wait3A_125] : memref<10240x128xf32, #tpu.memory_space<hbm>> -> memref<10240x128xf32, #tpu.memory_space<hbm>>
      tpu.wait_indirect_dma semaphore(%arg19 : memref<!tpu.dma_semaphore, #tpu.memory_space<semaphore_mem>>) src(%dma_wait3A_126 : memref<10240x128xf32, #tpu.memory_space<hbm>>) dst(%arg14 : memref<40x128xf32, #tpu.memory_space<vmem>>)
      "tpu.region"() ({
        %run_scoped3A = tpu.sem_alloc : memref<!tpu.dma_semaphore, #tpu.memory_space<semaphore_mem>>
        %dma_start3A_127 = arith.constant 0 : i32
        %dma_start3A_128 = tpu.memref_slice %arg9[%add3A_111, %dma_start3A_127] : memref<250x40xi32, #tpu.memory_space<vmem>> -> memref<1x40xi32, #tpu.memory_space<vmem>>
        %dma_start3A_129 = tpu.memref_squeeze %dma_start3A_128 : memref<1x40xi32, #tpu.memory_space<vmem>> -> memref<40xi32, #tpu.memory_space<vmem>>
        %dma_start3A_130 = arith.constant 0 : i32
        %dma_start3A_131 = arith.constant 0 : i32
        %dma_start3A_132 = tpu.memref_slice %arg7[%dma_start3A_130, %dma_start3A_131] : memref<10240x128xf32, #tpu.memory_space<vmem_shared>> -> memref<10240x128xf32, #tpu.memory_space<vmem_shared>>
        tpu.enqueue_indirect_dma source(%arg14 : memref<40x128xf32, #tpu.memory_space<vmem>>) target(%dma_start3A_132 : memref<10240x128xf32, #tpu.memory_space<vmem_shared>>) offsets(%dma_start3A_129 : memref<40xi32, #tpu.memory_space<vmem>>) semaphore(%run_scoped3A : memref<!tpu.dma_semaphore, #tpu.memory_space<semaphore_mem>>) {add = true}
        %dma_wait3A_133 = arith.constant 0 : i32
        %dma_wait3A_134 = tpu.memref_slice %arg9[%add3A_111, %dma_wait3A_133] : memref<250x40xi32, #tpu.memory_space<vmem>> -> memref<1x40xi32, #tpu.memory_space<vmem>>
        %dma_wait3A_135 = tpu.memref_squeeze %dma_wait3A_134 : memref<1x40xi32, #tpu.memory_space<vmem>> -> memref<40xi32, #tpu.memory_space<vmem>>
        %dma_wait3A_136 = arith.constant 0 : i32
        %dma_wait3A_137 = arith.constant 0 : i32
        %dma_wait3A_138 = tpu.memref_slice %arg7[%dma_wait3A_136, %dma_wait3A_137] : memref<10240x128xf32, #tpu.memory_space<vmem_shared>> -> memref<10240x128xf32, #tpu.memory_space<vmem_shared>>
        tpu.wait_indirect_dma semaphore(%run_scoped3A : memref<!tpu.dma_semaphore, #tpu.memory_space<semaphore_mem>>) src(%arg14 : memref<40x128xf32, #tpu.memory_space<vmem>>) dst(%dma_wait3A_138 : memref<10240x128xf32, #tpu.memory_space<vmem_shared>>)
        tpu.yield
      }) : () -> ()
    }
    %scan3A_41 = arith.constant 50 : i32
    %barrier3A_42 = arith.constant 0 : index
    tpu.barrier barrier_id(%barrier3A_42)
    "tpu.region"() ({
      %run_scoped3A = tpu.sem_alloc : memref<!tpu.dma_semaphore, #tpu.memory_space<semaphore_mem>>
      %dma_start3A_43 = arith.constant 0 : i32
      %dma_start3A_44 = tpu.memref_slice %arg6[%arg0, %mul3A_2, %dma_start3A_43] : memref<2x10240x128xf32, #tpu.memory_space<hbm>> -> memref<1x640x128xf32, #tpu.memory_space<hbm>>
      %dma_start3A_45 = tpu.memref_squeeze %dma_start3A_44 : memref<1x640x128xf32, #tpu.memory_space<hbm>> -> memref<640x128xf32, #tpu.memory_space<hbm>>
      %dma_start3A_46 = arith.constant 0 : i32
      %dma_start3A_47 = tpu.memref_slice %arg7[%mul3A_2, %dma_start3A_46] : memref<10240x128xf32, #tpu.memory_space<vmem_shared>> -> memref<640x128xf32, #tpu.memory_space<vmem_shared>>
      tpu.enqueue_dma source(%dma_start3A_47 : memref<640x128xf32, #tpu.memory_space<vmem_shared>>) target(%dma_start3A_45 : memref<640x128xf32, #tpu.memory_space<hbm>>) target_semaphore(%run_scoped3A : memref<!tpu.dma_semaphore, #tpu.memory_space<semaphore_mem>>)
      %dma_wait3A_48 = arith.constant 0 : i32
      %dma_wait3A_49 = tpu.memref_slice %arg6[%arg0, %mul3A_2, %dma_wait3A_48] : memref<2x10240x128xf32, #tpu.memory_space<hbm>> -> memref<1x640x128xf32, #tpu.memory_space<hbm>>
      %dma_wait3A_50 = tpu.memref_squeeze %dma_wait3A_49 : memref<1x640x128xf32, #tpu.memory_space<hbm>> -> memref<640x128xf32, #tpu.memory_space<hbm>>
      %dma_wait3A_51 = arith.constant 0 : i32
      %dma_wait3A_52 = tpu.memref_slice %arg7[%mul3A_2, %dma_wait3A_51] : memref<10240x128xf32, #tpu.memory_space<vmem_shared>> -> memref<640x128xf32, #tpu.memory_space<vmem_shared>>
      tpu.wait_dma2 semaphore(%run_scoped3A : memref<!tpu.dma_semaphore, #tpu.memory_space<semaphore_mem>>) src(%dma_wait3A_52 : memref<640x128xf32, #tpu.memory_space<vmem_shared>>) dst(%dma_wait3A_50 : memref<640x128xf32, #tpu.memory_space<hbm>>)
      tpu.yield
    }) : () -> ()
    return
  }
}

module attributes {stable_mosaic.version = 14 : i64} {
  func.func @_tc1_body(%arg0: memref<10240x128xf32, #tpu.memory_space<vmem>>, %arg1: memref<128x128xf32, #tpu.memory_space<vmem>>, %arg2: memref<2x10240x16xf32, #tpu.memory_space<vmem>>, %arg3: memref<10240x128xf32, #tpu.memory_space<vmem>>) attributes {dimension_semantics = [], scalar_prefetch = 0 : i64, scratch_operands = 0 : i64, tpu.core_type = #tpu.core_type<tc>} {
    %get3A = arith.constant 0 : index
    %get3A_0 = arith.constant 0 : index
    %get3A_1 = arith.constant 0 : index
    %get3A_2 = vector.load %arg2[%get3A, %get3A_0, %get3A_1] : memref<2x10240x16xf32, #tpu.memory_space<vmem>>, vector<2x10240x16xf32>
    %slice3A = vector.extract_strided_slice %get3A_2 {offsets = [0, 0, 0], sizes = [1, 10240, 1], strides = [1, 1, 1]} : vector<2x10240x16xf32> to vector<1x10240x1xf32>
    %squeeze3A = vector.shape_cast %slice3A : vector<1x10240x1xf32> to vector<10240x1xf32>
    %slice3A_3 = vector.extract_strided_slice %get3A_2 {offsets = [1, 0, 0], sizes = [1, 10240, 1], strides = [1, 1, 1]} : vector<2x10240x16xf32> to vector<1x10240x1xf32>
    %squeeze3A_4 = vector.shape_cast %slice3A_3 : vector<1x10240x1xf32> to vector<10240x1xf32>
    %add3A = arith.addf %squeeze3A, %squeeze3A_4 : vector<10240x1xf32>
    %add3A_5 = arith.constant 1.000000e+00 : f32
    %add3A_6 = vector.broadcast %add3A_5 : f32 to vector<10240x1xf32>
    %add3A_7 = arith.addf %add3A, %add3A_6 : vector<10240x1xf32>
    %max3A = arith.constant 1.000000e+00 : f32
    %max3A_8 = vector.broadcast %max3A : f32 to vector<10240x1xf32>
    %max3A_9 = arith.maximumf %add3A_7, %max3A_8 : vector<10240x1xf32>
    %rsqrt3A = math.rsqrt %max3A_9 : vector<10240x1xf32>
    %get3A_10 = arith.constant 0 : index
    %get3A_11 = arith.constant 0 : index
    %get3A_12 = vector.load %arg0[%get3A_10, %get3A_11] : memref<10240x128xf32, #tpu.memory_space<vmem>>, vector<10240x128xf32>
    %get3A_13 = arith.constant 0 : index
    %get3A_14 = arith.constant 0 : index
    %get3A_15 = vector.load %arg1[%get3A_13, %get3A_14] : memref<128x128xf32, #tpu.memory_space<vmem>>, vector<128x128xf32>
    %dot_general3A = arith.constant dense<0.000000e+00> : vector<10240x128xf32>
    %dot_general3A_16 = tpu.matmul %get3A_12, %get3A_15, %dot_general3A {dimension_numbers = #tpu.dot_dimension_numbers<[1], [0], [0], [1], [0, 0, 1, 1], [], []>, transpose_lhs_hint = false} : vector<10240x128xf32>, vector<128x128xf32>, vector<10240x128xf32> -> vector<10240x128xf32>
    %mul3A = vector.broadcast %rsqrt3A : vector<10240x1xf32> to vector<10240x128xf32>
    %mul3A_17 = arith.mulf %dot_general3A_16, %mul3A : vector<10240x128xf32>
    %swap3A = arith.constant 0 : index
    %swap3A_18 = arith.constant 0 : index
    %swap3A_19 = vector.load %arg3[%swap3A, %swap3A_18] : memref<10240x128xf32, #tpu.memory_space<vmem>>, vector<10240x128xf32>
    tpu.vector_store %arg3[%swap3A, %swap3A_18], %mul3A_17 {strides = array<i32>} : memref<10240x128xf32, #tpu.memory_space<vmem>>, vector<10240x128xf32>,
    return
  }
}

module attributes {stable_mosaic.version = 14 : i64} {
  func.func @_tc2_body(%arg0: memref<2x10240x128xf32, #tpu.memory_space<vmem>>, %arg1: memref<10240x128xf32, #tpu.memory_space<vmem>>, %arg2: memref<2x10240x16xf32, #tpu.memory_space<vmem>>, %arg3: memref<1x128xf32, #tpu.memory_space<vmem>>, %arg4: memref<128x128xf32, #tpu.memory_space<vmem>>, %arg5: memref<10240x128xf32, #tpu.memory_space<vmem>>) attributes {dimension_semantics = [], scalar_prefetch = 0 : i64, scratch_operands = 0 : i64, tpu.core_type = #tpu.core_type<tc>} {
    %get3A = arith.constant 0 : index
    %get3A_0 = arith.constant 0 : index
    %get3A_1 = arith.constant 0 : index
    %get3A_2 = vector.load %arg2[%get3A, %get3A_0, %get3A_1] : memref<2x10240x16xf32, #tpu.memory_space<vmem>>, vector<2x10240x16xf32>
    %slice3A = vector.extract_strided_slice %get3A_2 {offsets = [0, 0, 0], sizes = [1, 10240, 1], strides = [1, 1, 1]} : vector<2x10240x16xf32> to vector<1x10240x1xf32>
    %squeeze3A = vector.shape_cast %slice3A : vector<1x10240x1xf32> to vector<10240x1xf32>
    %slice3A_3 = vector.extract_strided_slice %get3A_2 {offsets = [1, 0, 0], sizes = [1, 10240, 1], strides = [1, 1, 1]} : vector<2x10240x16xf32> to vector<1x10240x1xf32>
    %squeeze3A_4 = vector.shape_cast %slice3A_3 : vector<1x10240x1xf32> to vector<10240x1xf32>
    %add3A = arith.addf %squeeze3A, %squeeze3A_4 : vector<10240x1xf32>
    %add3A_5 = arith.constant 1.000000e+00 : f32
    %add3A_6 = vector.broadcast %add3A_5 : f32 to vector<10240x1xf32>
    %add3A_7 = arith.addf %add3A, %add3A_6 : vector<10240x1xf32>
    %max3A = arith.constant 1.000000e+00 : f32
    %max3A_8 = vector.broadcast %max3A : f32 to vector<10240x1xf32>
    %max3A_9 = arith.maximumf %add3A_7, %max3A_8 : vector<10240x1xf32>
    %rsqrt3A = math.rsqrt %max3A_9 : vector<10240x1xf32>
    %get3A_10 = arith.constant 0 : index
    %get3A_11 = arith.constant 0 : index
    %get3A_12 = arith.constant 0 : index
    %get3A_13 = vector.load %arg0[%get3A_10, %get3A_11, %get3A_12] : memref<2x10240x128xf32, #tpu.memory_space<vmem>>, vector<2x10240x128xf32>
    %slice3A_14 = vector.extract_strided_slice %get3A_13 {offsets = [0, 0, 0], sizes = [1, 10240, 128], strides = [1, 1, 1]} : vector<2x10240x128xf32> to vector<1x10240x128xf32>
    %squeeze3A_15 = vector.shape_cast %slice3A_14 : vector<1x10240x128xf32> to vector<10240x128xf32>
    %slice3A_16 = vector.extract_strided_slice %get3A_13 {offsets = [1, 0, 0], sizes = [1, 10240, 128], strides = [1, 1, 1]} : vector<2x10240x128xf32> to vector<1x10240x128xf32>
    %squeeze3A_17 = vector.shape_cast %slice3A_16 : vector<1x10240x128xf32> to vector<10240x128xf32>
    %add3A_18 = arith.addf %squeeze3A_15, %squeeze3A_17 : vector<10240x128xf32>
    %get3A_19 = arith.constant 0 : index
    %get3A_20 = arith.constant 0 : index
    %get3A_21 = vector.load %arg1[%get3A_19, %get3A_20] : memref<10240x128xf32, #tpu.memory_space<vmem>>, vector<10240x128xf32>
    %add3A_22 = arith.addf %add3A_18, %get3A_21 : vector<10240x128xf32>
    %mul3A = vector.broadcast %rsqrt3A : vector<10240x1xf32> to vector<10240x128xf32>
    %mul3A_23 = arith.mulf %add3A_22, %mul3A : vector<10240x128xf32>
    %get3A_24 = arith.constant 0 : index
    %get3A_25 = arith.constant 0 : index
    %get3A_26 = vector.load %arg3[%get3A_24, %get3A_25] : memref<1x128xf32, #tpu.memory_space<vmem>>, vector<1x128xf32>
    %add3A_27 = vector.broadcast %get3A_26 : vector<1x128xf32> to vector<10240x128xf32>
    %add3A_28 = arith.addf %mul3A_23, %add3A_27 : vector<10240x128xf32>
    %max3A_29 = arith.constant 0.000000e+00 : f32
    %max3A_30 = vector.broadcast %max3A_29 : f32 to vector<10240x128xf32>
    %max3A_31 = arith.maximumf %add3A_28, %max3A_30 : vector<10240x128xf32>
    %get3A_32 = arith.constant 0 : index
    %get3A_33 = arith.constant 0 : index
    %get3A_34 = vector.load %arg4[%get3A_32, %get3A_33] : memref<128x128xf32, #tpu.memory_space<vmem>>, vector<128x128xf32>
    %dot_general3A = arith.constant dense<0.000000e+00> : vector<10240x128xf32>
    %dot_general3A_35 = tpu.matmul %max3A_31, %get3A_34, %dot_general3A {dimension_numbers = #tpu.dot_dimension_numbers<[1], [0], [0], [1], [0, 0, 1, 1], [], []>, transpose_lhs_hint = false} : vector<10240x128xf32>, vector<128x128xf32>, vector<10240x128xf32> -> vector<10240x128xf32>
    %mul3A_36 = vector.broadcast %rsqrt3A : vector<10240x1xf32> to vector<10240x128xf32>
    %mul3A_37 = arith.mulf %dot_general3A_35, %mul3A_36 : vector<10240x128xf32>
    %swap3A = arith.constant 0 : index
    %swap3A_38 = arith.constant 0 : index
    %swap3A_39 = vector.load %arg5[%swap3A, %swap3A_38] : memref<10240x128xf32, #tpu.memory_space<vmem>>, vector<10240x128xf32>
    tpu.vector_store %arg5[%swap3A, %swap3A_38], %mul3A_37 {strides = array<i32>} : memref<10240x128xf32, #tpu.memory_space<vmem>>, vector<10240x128xf32>,
    return
  }
}

module attributes {stable_mosaic.version = 14 : i64} {
  func.func @_tc3_body(%arg0: memref<2x10240x128xf32, #tpu.memory_space<vmem>>, %arg1: memref<10240x128xf32, #tpu.memory_space<vmem>>, %arg2: memref<2x10240x16xf32, #tpu.memory_space<vmem>>, %arg3: memref<1x128xf32, #tpu.memory_space<vmem>>, %arg4: memref<1x10240xi32, #tpu.memory_space<vmem>>, %arg5: memref<128x40xf32, #tpu.memory_space<vmem>>, %arg6: memref<1x40xf32, #tpu.memory_space<vmem>>, %arg7: memref<64x40xf32, #tpu.memory_space<vmem>>) attributes {dimension_semantics = [], scalar_prefetch = 0 : i64, scratch_operands = 0 : i64, tpu.core_type = #tpu.core_type<tc>} {
    %get3A = arith.constant 0 : index
    %get3A_0 = arith.constant 0 : index
    %get3A_1 = arith.constant 0 : index
    %get3A_2 = vector.load %arg2[%get3A, %get3A_0, %get3A_1] : memref<2x10240x16xf32, #tpu.memory_space<vmem>>, vector<2x10240x16xf32>
    %slice3A = vector.extract_strided_slice %get3A_2 {offsets = [0, 0, 0], sizes = [1, 10240, 1], strides = [1, 1, 1]} : vector<2x10240x16xf32> to vector<1x10240x1xf32>
    %squeeze3A = vector.shape_cast %slice3A : vector<1x10240x1xf32> to vector<10240x1xf32>
    %slice3A_3 = vector.extract_strided_slice %get3A_2 {offsets = [1, 0, 0], sizes = [1, 10240, 1], strides = [1, 1, 1]} : vector<2x10240x16xf32> to vector<1x10240x1xf32>
    %squeeze3A_4 = vector.shape_cast %slice3A_3 : vector<1x10240x1xf32> to vector<10240x1xf32>
    %add3A = arith.addf %squeeze3A, %squeeze3A_4 : vector<10240x1xf32>
    %add3A_5 = arith.constant 1.000000e+00 : f32
    %add3A_6 = vector.broadcast %add3A_5 : f32 to vector<10240x1xf32>
    %add3A_7 = arith.addf %add3A, %add3A_6 : vector<10240x1xf32>
    %max3A = arith.constant 1.000000e+00 : f32
    %max3A_8 = vector.broadcast %max3A : f32 to vector<10240x1xf32>
    %max3A_9 = arith.maximumf %add3A_7, %max3A_8 : vector<10240x1xf32>
    %rsqrt3A = math.rsqrt %max3A_9 : vector<10240x1xf32>
    %get3A_10 = arith.constant 0 : index
    %get3A_11 = arith.constant 0 : index
    %get3A_12 = arith.constant 0 : index
    %get3A_13 = vector.load %arg0[%get3A_10, %get3A_11, %get3A_12] : memref<2x10240x128xf32, #tpu.memory_space<vmem>>, vector<2x10240x128xf32>
    %slice3A_14 = vector.extract_strided_slice %get3A_13 {offsets = [0, 0, 0], sizes = [1, 10240, 128], strides = [1, 1, 1]} : vector<2x10240x128xf32> to vector<1x10240x128xf32>
    %squeeze3A_15 = vector.shape_cast %slice3A_14 : vector<1x10240x128xf32> to vector<10240x128xf32>
    %slice3A_16 = vector.extract_strided_slice %get3A_13 {offsets = [1, 0, 0], sizes = [1, 10240, 128], strides = [1, 1, 1]} : vector<2x10240x128xf32> to vector<1x10240x128xf32>
    %squeeze3A_17 = vector.shape_cast %slice3A_16 : vector<1x10240x128xf32> to vector<10240x128xf32>
    %add3A_18 = arith.addf %squeeze3A_15, %squeeze3A_17 : vector<10240x128xf32>
    %get3A_19 = arith.constant 0 : index
    %get3A_20 = arith.constant 0 : index
    %get3A_21 = vector.load %arg1[%get3A_19, %get3A_20] : memref<10240x128xf32, #tpu.memory_space<vmem>>, vector<10240x128xf32>
    %add3A_22 = arith.addf %add3A_18, %get3A_21 : vector<10240x128xf32>
    %mul3A = vector.broadcast %rsqrt3A : vector<10240x1xf32> to vector<10240x128xf32>
    %mul3A_23 = arith.mulf %add3A_22, %mul3A : vector<10240x128xf32>
    %get3A_24 = arith.constant 0 : index
    %get3A_25 = arith.constant 0 : index
    %get3A_26 = vector.load %arg3[%get3A_24, %get3A_25] : memref<1x128xf32, #tpu.memory_space<vmem>>, vector<1x128xf32>
    %add3A_27 = vector.broadcast %get3A_26 : vector<1x128xf32> to vector<10240x128xf32>
    %add3A_28 = arith.addf %mul3A_23, %add3A_27 : vector<10240x128xf32>
    %max3A_29 = arith.constant 0.000000e+00 : f32
    %max3A_30 = vector.broadcast %max3A_29 : f32 to vector<10240x128xf32>
    %max3A_31 = arith.maximumf %add3A_28, %max3A_30 : vector<10240x128xf32>
    %iota3A = tpu.iota {dimensions = array<i32: 0>} : vector<64x1xi32>
    %get3A_32 = arith.constant 0 : index
    %get3A_33 = arith.constant 0 : index
    %get3A_34 = vector.load %arg4[%get3A_32, %get3A_33] : memref<1x10240xi32, #tpu.memory_space<vmem>>, vector<1x10240xi32>
    %eq3A = vector.broadcast %get3A_34 : vector<1x10240xi32> to vector<64x10240xi32>
    %eq3A_35 = vector.broadcast %iota3A : vector<64x1xi32> to vector<64x10240xi32>
    %eq3A_36 = arith.cmpi eq, %eq3A, %eq3A_35 : vector<64x10240xi32>
    %convert_element_type3A = arith.extui %eq3A_36 : vector<64x10240xi1> to vector<64x10240xi32>
    %convert_element_type3A_37 = arith.sitofp %convert_element_type3A : vector<64x10240xi32> to vector<64x10240xf32>
    %dot_general3A = arith.constant dense<0.000000e+00> : vector<64x128xf32>
    %dot_general3A_38 = tpu.matmul %convert_element_type3A_37, %max3A_31, %dot_general3A {dimension_numbers = #tpu.dot_dimension_numbers<[1], [0], [0], [1], [0, 0, 1, 1], [], []>, transpose_lhs_hint = false} : vector<64x10240xf32>, vector<10240x128xf32>, vector<64x128xf32> -> vector<64x128xf32>
    %reduce_sum3A = arith.constant dense<0.000000e+00> : vector<64xf32>
    %reduce_sum3A_39 = vector.multi_reduction <add>, %convert_element_type3A_37, %reduce_sum3A [1] : vector<64x10240xf32> to vector<64xf32>
    %broadcast_in_dim3A = vector.shape_cast %reduce_sum3A_39 : vector<64xf32> to vector<64x1xf32>
    %max3A_40 = arith.constant 1.000000e+00 : f32
    %max3A_41 = vector.broadcast %max3A_40 : f32 to vector<64x1xf32>
    %max3A_42 = arith.maximumf %broadcast_in_dim3A, %max3A_41 : vector<64x1xf32>
    %div3A = vector.broadcast %max3A_42 : vector<64x1xf32> to vector<64x128xf32>
    %div3A_43 = arith.divf %dot_general3A_38, %div3A : vector<64x128xf32>
    %get3A_44 = arith.constant 0 : index
    %get3A_45 = arith.constant 0 : index
    %get3A_46 = vector.load %arg5[%get3A_44, %get3A_45] : memref<128x40xf32, #tpu.memory_space<vmem>>, vector<128x40xf32>
    %dot_general3A_47 = arith.constant dense<0.000000e+00> : vector<64x40xf32>
    %dot_general3A_48 = tpu.matmul %div3A_43, %get3A_46, %dot_general3A_47 {dimension_numbers = #tpu.dot_dimension_numbers<[1], [0], [0], [1], [0, 0, 1, 1], [], []>, transpose_lhs_hint = false} : vector<64x128xf32>, vector<128x40xf32>, vector<64x40xf32> -> vector<64x40xf32>
    %get3A_49 = arith.constant 0 : index
    %get3A_50 = arith.constant 0 : index
    %get3A_51 = vector.load %arg6[%get3A_49, %get3A_50] : memref<1x40xf32, #tpu.memory_space<vmem>>, vector<1x40xf32>
    %add3A_52 = vector.broadcast %get3A_51 : vector<1x40xf32> to vector<64x40xf32>
    %add3A_53 = arith.addf %dot_general3A_48, %add3A_52 : vector<64x40xf32>
    %swap3A = arith.constant 0 : index
    %swap3A_54 = arith.constant 0 : index
    %swap3A_55 = vector.load %arg7[%swap3A, %swap3A_54] : memref<64x40xf32, #tpu.memory_space<vmem>>, vector<64x40xf32>
    tpu.vector_store %arg7[%swap3A, %swap3A_54], %add3A_53 {strides = array<i32>} : memref<64x40xf32, #tpu.memory_space<vmem>>, vector<64x40xf32>,
    return
  }
}

</mosaic_0001>

<sc_bundles>
// kernel: kernel.11.cloned.1.call-start
scs
__scs_entry_jumppad:
0x0: {  	(pc) =	sbr.rel $0x88, $3  }
0x1: {  	(tag) =	ssettag $0x0;
	lr =	simm.s32 $0x1  }
0x2: {  	[smem:$0x3F98] =	sst lr;
	_ =	strace $0xD0000000  }
0x3: {  	_ = 	snop  }
0x4: {  	_ = 	snop  }
0x5: {  	_ = 	snop  }
0x6: {  	_ = 	snop  }
0x7: {  	_ = 	snop  }
__scs_overlays_trampoline_lowered:
0x8: {  	[smem:$0x3FA7] =	sst s0  }
0x9: {  	[smem:$0x3FA8] =	sst s1  }
0xa: {  	[smem:$0x3FA9] =	sst s2  }
0xb: {  	[smem:$0x3FAA] =	sst s3  }
0xc: {  	[smem:$0x3FAB] =	sst s4  }
0xd: {  	[smem:$0x3FAC] =	sst s5  }
0xe: {  	[smem:$0x3FAD] =	sst s6  }
0xf: {  	[smem:$0x3FAE] =	sst s7  }
0x10: {  	[smem:$0x3FAF] =	sst s8  }
0x11: {  	[smem:$0x3FB0] =	sst s9;
	s0 =	simm.s32 @!p0 $0x0  }
0x12: {  	s1 =	sld [smem:$0x3F96];
	s0 =	simm.s32 @p0 $0x1  }
0x13: {  	[smem:$0x3FB1] =	sst s0;
	s0 =	simm.s32 @!p1 $0x0  }
0x14: {  	s2 =	sld [smem:$0x3F95];
	s0 =	simm.s32 @p1 $0x1  }
0x15: {  	[smem:$0x3FB2] =	sst s0;
	s0 =	simm.s32 @!p2 $0x0  }
0x16: {  	s3 =	sld [smem:$0x3FDB];
	s0 =	simm.s32 @p2 $0x1  }
0x17: {  	s4 =	simm.s32 $0x1BF5;
	[smem:$0x3FB4] =	sst s0  }
0x18: {  	s0 =	sld [smem:$0x3F97];
	_ =	swait.ge [sflag:s4], $0x0  }
0x19: {  	s7 =	sld [smem:$0x3F98]  }
0x1a: {  	s8 =	sadd.s32 $0xFFFFE003, lr  }
0x1b: {  	s9 =	sadd.s32 $0xFFFFFEF7, lr;
	s5 =	simm.s32 $0xFFFFFFFF;
	p2 =	slt.u32 s8, $0xFFFFF086  }
0x1c: {  	p1 =	slt.u32 s9, $0xF7A;
	s5 =	simm.s32 @!p2 $0x0  }
0x1d: {  	s5 =	simm.s32 @p1 $0x1;
	p0 =	seq.s32 s7, s2  }
0x1e: {  	s7 =	smul.u32 @!p0 $0xF7A, s2;
	p2 =	seq.s32 @!p0 s5, $0x0  }
0x1f: {  	s9 =	smul.u32 $0xF7A, s1;
	s8 =	simm.s32 @!p0 $0x1BF5;
	p2 =	por !p2, p0  }
0x20: {  	[sflag:s8] =	ssyncset.s32 @!p0 $0xFFFFF086;
	s6 =	sadd.s32 @!p0 s3, s7;
	s7 =	simm.s32 @!p0 $0x108  }
0x21: {  	s3 =	sadd.s32 s3, s9;
	s6 =	sadd.s32 @!p0 $0x88, s6;
	s7 =	simm.s32 @p2 $0x1082  }
0x22: {  	[simem:s7], [sflag:s8] =	dma.local @!p0 [hbm:s6], $0xF7A  }
0x23: {  	s9 =	sor.u32 $0xD0000000, s2;
	s6 =	simm.s32 $0x108;
	_ =	swait.ge @!p0 [sflag:s8], $0x0  }
0x24: {  	s3 =	sadd.s32 $0x88, s3;
	s6 =	simm.s32 @!p1 $0x1082;
	[sflag:s4] =	ssyncset.s32 $0xFFFFF086  }
0x25: {  	[simem:s6], [sflag:s4] =	dma.local [hbm:s3], $0xF7A  }
0x26: {  	[smem:$0x3F98] =	sst s1;
	(tag) =	ssettag s2;
	_ =	strace s9  }
0x27: {  	s1 =	sld [smem:$0x3FA8]  }
0x28: {  	s2 =	sld [smem:$0x3FA9]  }
0x29: {  	s4 =	sld [smem:$0x3FAB]  }
0x2a: {  	p0 =	seq.s32 s5, $0x0;
	s5 =	sld [smem:$0x3FAC]  }
0x2b: {  	s6 =	sld [smem:$0x3FAD]  }
0x2c: {  	s7 =	sld [smem:$0x3FAE]  }
0x2d: {  	s3 =	simm.s32 $0x108;
	s8 =	sld [smem:$0x3FAF]  }
0x2e: {  	s3 =	simm.s32 @!p0 $0x1082;
	s9 =	sld [smem:$0x3FB0]  }
0x2f: {  	lr =	sadd.s32 s0, s3;
	s0 =	sld [smem:$0x3FA7]  }
0x30: {  	s3 =	sld [smem:$0x3FAA]  }
0x31: {  	[smem:$0x3FB3] =	sst s10  }
0x32: {  	s10 =	sld [smem:$0x3FB1];
	_ =	sdelay $0x3  }
0x33: {  	p0 =	seq.s32 s10, $0x1;
	s10 =	sld [smem:$0x3FB3];
	_ =	sdelay $0x3  }
0x34: {  	[smem:$0x3FB3] =	sst s10  }
0x35: {  	s10 =	sld [smem:$0x3FB2];
	_ =	sdelay $0x3  }
0x36: {  	p1 =	seq.s32 s10, $0x1;
	s10 =	sld [smem:$0x3FB3];
	_ =	sdelay $0x3  }
0x37: {  	[smem:$0x3FB3] =	sst s10  }
0x38: {  	s10 =	sld [smem:$0x3FB4]  }
0x39: {  	_ = 	snop;
	(pc) =	sbr.ind lr, $3  }
0x3a: {  	_ = 	snop  }
0x3b: {  	_ = 	snop  }
0x3c: {  	p2 =	seq.s32 s10, $0x1;
	s10 =	sld [smem:$0x3FB3]  }
0x3d: {  	_ =	shalt  }
0x3e: {  	_ =	shalt  }
0x3f: {  	_ =	shalt  }
0x40: {  	_ =	shalt  }
0x41: {  	_ =	shalt  }
0x42: {  	_ =	shalt  }
0x43: {  	_ =	shalt  }
0x44: {  	_ =	shalt  }
0x45: {  	_ =	shalt  }
0x46: {  	_ =	shalt  }
0x47: {  	_ =	shalt  }
0x48: {  	_ =	shalt  }
0x49: {  	_ =	shalt  }
0x4a: {  	_ =	shalt  }
0x4b: {  	_ =	shalt  }
0x4c: {  	_ =	shalt  }
0x4d: {  	_ =	shalt  }
0x4e: {  	_ =	shalt  }
0x4f: {  	_ =	shalt  }
0x50: {  	_ =	shalt  }
0x51: {  	_ =	shalt  }
0x52: {  	_ =	shalt  }
0x53: {  	_ =	shalt  }
0x54: {  	_ =	shalt  }
0x55: {  	_ =	shalt  }
0x56: {  	_ =	shalt  }
0x57: {  	_ =	shalt  }
0x58: {  	_ =	shalt  }
0x59: {  	_ =	shalt  }
0x5a: {  	_ =	shalt  }
0x5b: {  	_ =	shalt  }
0x5c: {  	_ =	shalt  }
0x5d: {  	_ =	shalt  }
0x5e: {  	_ =	shalt  }
0x5f: {  	_ =	shalt  }
0x60: {  	_ =	shalt  }
0x61: {  	_ =	shalt  }
0x62: {  	_ =	shalt  }
0x63: {  	_ =	shalt  }
0x64: {  	_ =	shalt  }
0x65: {  	_ =	shalt  }
0x66: {  	_ =	shalt  }
0x67: {  	_ =	shalt  }
0x68: {  	_ =	shalt  }
0x69: {  	_ =	shalt  }
0x6a: {  	_ =	shalt  }
0x6b: {  	_ =	shalt  }
0x6c: {  	_ =	shalt  }
0x6d: {  	_ =	shalt  }
0x6e: {  	_ =	shalt  }
0x6f: {  	_ =	shalt  }
0x70: {  	_ =	shalt  }
0x71: {  	_ =	shalt  }
0x72: {  	_ =	shalt  }
0x73: {  	_ =	shalt  }
0x74: {  	_ =	shalt  }
0x75: {  	_ =	shalt  }
0x76: {  	_ =	shalt  }
0x77: {  	_ =	shalt  }
0x78: {  	_ =	shalt  }
0x79: {  	_ =	shalt  }
0x7a: {  	_ =	shalt  }
0x7b: {  	_ =	shalt  }
0x7c: {  	_ =	shalt  }
0x7d: {  	_ =	shalt  }
0x7e: {  	_ =	shalt  }
0x7f: {  	_ =	shalt  }
0x80: {  	_ =	shalt  }
0x81: {  	_ =	shalt  }
0x82: {  	_ =	shalt  }
0x83: {  	_ =	shalt  }
0x84: {  	_ =	shalt  }
0x85: {  	_ =	shalt  }
0x86: {  	_ =	shalt  }
0x87: {  	_ =	shalt  }
.Lfunc_end0:
.L_simem_size_0:
called_computation.1_lowered:
.L_overlay_start_0:
0x88: {  	s2 =	sld [smem:$0x3FD9]  }
0x89: {  	s3 =	sld [smem:$0x3FFE];
	_ =	sdelay $0x1  }
0x8a: {  	s1 =	srdreg.scid  }
0x8b: {  	s0 =	sand.u32 $0x1, s1  }
0x8c: {  	s16 =	sshll.u32 s0, $0xA;
	s2 =	sadd.s32 s3, s2  }
0x8d: {  	s2 =	sadd.s32 s2, s16  }
0x8e: {  	[smem:$0x3FBF] =	sst s2  }
0x8f: {  	_ = 	snop  }
0x90: {  	(tm) =	ssettm $0x1  }
0x91: {  	s17 =	sld [smem:$0x3FFB];
	_ =	sdelay $0x3  }
0x92: {  	_ =	strace s17  }
0x93: {  	s2 =	sld [smem:$0x3FFC];
	_ =	sdelay $0x3  }
0x94: {  	_ =	strace s2  }
0x95: {  	s2 =	sld [smem:$0x3FFD];
	_ =	sdelay $0x3  }
0x96: {  	_ =	strace s2  }
0x97: {  	_ =	strace $0x8FFFFFFF  }
0x98: {  	s18 =	sld [smem:$0x3FDB];
	_ =	sdelay $0x1  }
0x99: {  	s19 =	simm.s32 $_scs_section_size  }
0x9a: {  	s4 =	simm.s32 $_size__tile_overlayer_lowered;
	s5 =	simm.s32 $_tile_overlayer_lowered  }
0x9b: {  	s22 =	simm.s32 $0x1BFF;
	s21 =	sshll.u32 s5, $0x1;
	s2 =	sadd.s32 s19, s18  }
0x9c: {  	s6 =	simm.s32 $0x0;
	s20 =	sshll.u32 s4, $0x1;
	s4 =	sadd.s32 s21, s2  }
0x9d: {  	[timem:s6], [sflag:s22] =	dma.local [hbm:s4], s20  }
0x9e: {  	_ =	swait.ge [sflag:s22], s20  }
0x9f: {  	s3 =	ssub.s32 $0x0, s20;
	[sflag:s22] =	ssyncset.done $0x0  }
0xa0: {  	[sflag:s22] =	ssyncadd.s32 s3;
	_ =	sdelay $0x1  }
0xa1: {  	s23 =	simm.s32 $0x1B8B  }
0xa2: {  	_ =	swait.ge [sflag:s23], $0x1  }
0xa3: {  	[sflag:s23] =	ssyncset.done $0x0  }
0xa4: {  	s25 =	simm.s32 $0x1B8E;
	s24 =	sld [smem:$0x3FFE];
	[sflag:s23] =	ssyncadd.s32 $0xFFFFFFFF  }
0xa5: {  	s26 =	simm.s32 $execute0_lowered;
	[smem:$0x3FD2] =	sst s25  }
0xa6: {  	s4 =	sshll.u32 s26, $0x1;
	_ =	strace $0x80000049;
	[dreg:$0x1] =	wrdreg $0xFFFFFFFF  }
0xa7: {  	s28 =	simm.s32 $_size_execute0_lowered;
	s2 =	sadd.s32 s2, s4;
	[dreg:$0x0] =	wrdreg $0x0  }
0xa8: {  	s4 =	sshll.u32 s28, $0x1;
	[dreg:$0x2] =	wrdreg s2  }
0xa9: {  	[dreg:$0x3] =	wrdreg s4  }
0xaa: {  	[dreg:$0x4] =	wrdreg $0xC0  }
0xab: {  	_ =	task [dreg:s6], $0x5FFFF  }
0xac: {  	[dreg:$0x1] =	wrdreg $0xFFFFFFFF  }
0xad: {  	[dreg:$0x0] =	wrdreg $0x60  }
0xae: {  	[dreg:$0x2] =	wrdreg s24  }
0xaf: {  	[dreg:$0x3] =	wrdreg $0x0  }
0xb0: {  	[dreg:$0x4] =	wrdreg $0x9  }
0xb1: {  	_ =	task.clear_ibuf [dreg:s6], $0x5FFFF;
	_ =	strace $0x90000049  }
0xb2: {  	s29 =	simm.s32 $0x9;
	_ =	strace $0x8000004B  }
0xb3: {  	_ =	swait.ge [sflag:s29], $0x1  }
0xb4: {  	[sflag:s29] =	ssyncadd.s32 $0xFFFFFFFF  }
0xb5: {  	_ =	strace $0x9000004B  }
0xb6: {  	_ =	sfence  }
0xb7: {  	s30 =	sld [smem:$0x0];
	_ =	sdelay $0x2  }
0xb8: {  	s31 =	sshll.u32 s1, $0xD;
	s1 =	sshrl.u32 s1, $0x2  }
0xb9: {  	s3 =	sand.u32 $0x4000, s31;
	s1 =	sadd.s32 s1, s30  }
0xba: {  	s0 =	sor.u32 s3, s0;
	s1 =	sshll.u32 s1, $0x11  }
0xbb: {  	s0 =	sor.u32 s1, s0  }
0xbc: {  	s0 =	sadd.s32 $0x8F2B, s0  }
0xbd: {  	[sflag:s0] =	ssyncadd.remote.s32 $0x1  }
0xbe: {  	_ =	sfence.sel $0xFFFF  }
0xbf: {  	[dreg:$0x0] =	wrdreg $0xFFFFFFFF;
	(pc) =	sbr.abs _section_cstart, $3  }
0xc0: {  	[dreg:$0x1] =	wrdreg $0xFFFFFFFF  }
0xc1: {  	_ =	task.clear_ibuf [dreg:s6], $0x2FFFF;
	_ =	strace $0x9FFFFFFF  }
0xc2: {  	(tm) =	ssettm $0x7FFFFFFF  }
0xc3: {  	_ =	shalt  }
tec
execute0_lowered:
.L_overlay_start_1:
0x0: {  	(tag) =	ssettag $0x1  }
0x1: {  	s0 =	srdreg.scid;
	s5 =	rddreg [dreg:$0x0]  }
0x2: {  	s11 =	stileid.u32;
	s2 =	rddreg [dreg:$0x1];
	s3 =	simm.s32 $0x0  }
0x3: {  	s13 =	simm.s32 $0x14000;
	s14 =	simm.s32 $0x6;
	s16 =	simm.s32 $0x1  }
0x4: {  	s17 =	simm.s32 $0x28;
	s18 =	simm.s32 $0x18E20;
	s20 =	simm.s32 $0x1A220  }
0x5: {  	s22 =	simm.s32 $0x1B620;
	s24 =	simm.s32 $0x1CA20;
	s25 =	simm.s32 $0x1DE20  }
0x6: {  	s26 =	simm.s32 $0x2;
	s28 =	simm.s32 $0x3;
	s29 =	simm.s32 $0x4  }
0x7: {  	s30 =	simm.s32 $0x5;
	s21 =	simm.s32 $0x18DF8;
	s23 =	simm.s32 $0x0  }
0x8: {  	s0 =	sand.u32 $0x1, s0;
	s6 =	smul.u32 $0x14000, s11;
	[smem:$0x7FF] =	sst s3  }
0x9: {  	s4 =	sadd.s32 $0x67000, s5;
	s1 =	sshll.u32 s0, $0x4;
	s7 =	smul.u32 $0x140000, s0  }
0xa: {  	_ =	strace $0x8000004A;
	s0 =	ssub.s32 $0x2, s0;
	s1 =	sor.u32 s11, s1  }
0xb: {  	s8 =	sshrl.u32 s6, $0x3;
	s9 =	sshrl.u32 s0, $0x1;
	s12 =	sadd.s32 s6, s2  }
0xc: {  	s1 =	smul.u32 $0x4E2, s1;
	s7 =	sadd.s32 s6, s7;
	s8 =	sadd.s32 s8, s5  }
0xd: {  	s0 =	ssub.s32 s0, s9;
	s6 =	sshll.u32 s11, $0x6;
	s12 =	sshrl.u32 s12, $0x3  }
0xe: {  	s7 =	sshrl.u32 s7, $0x3;
	s11 =	smax.u32 s0, $0x1;
	s1 =	sadd.s32 s1, s5  }
0xf: {  	s10 =	sadd.s32 s7, s5;
	s5 =	sadd.s32 $0x8F000, s8;
	s7 =	sor.u32 $0x1C01, s6  }
0x10: {  	s8 =	sadd.s32 $0x3400, s1;
	s9 =	sadd.s32 $0xD200, s1;
	s10 =	sadd.s32 $0xB7000, s10  }
.LBB2_1:
0x11: {  	[spmem:s12], [sflag:s7] =	dma.local [hbm:s5], $0x2800  }
0x12: {  	[tilespmem:s13], [sflag:$0x6] =	stream.linear.gather [hbm4b:s8+s3], $0x2710, $0x38;
	[tilespmem:$0x1F220] =	vst v63  }
0x13: {  	_ =	swait.ge [sflag:s14], $0x2710  }
0x14: {  	[sflag:s14] =	ssyncset.done $0x0  }
0x15: {  	s0 =	simm.s32 $0x16710;
	[sflag:s14] =	ssyncadd.s32 $0xFFFFD8F0  }
0x16: {  	[tilespmem:s0], [sflag:$0x6] =	stream.linear.gather [hbm4b:s9+s3], $0x2710, $0x38;
	[tilespmem:$0x1F220] =	vst v63  }
0x17: {  	_ =	swait.ge [sflag:s14], $0x2710  }
0x18: {  	[sflag:s14] =	ssyncset.done $0x0  }
0x19: {  	[sflag:s14] =	ssyncadd.s32 $0xFFFFD8F0  }
0x1a: {  	_ =	swait.ge [sflag:s16], $0x2800  }
0x1b: {  	[sflag:s16] =	ssyncset.done $0x0  }
0x1c: {  	[sflag:s16] =	ssyncadd.s32 $0xFFFFD800  }
0x1d: {  	[bflag:$0x0] =	sbarrier.arrive $0xFFFF  }
0x1e: {  	[tilespmem:s18], [sflag:$0x1] =	stream.indirect.gather [hbm4b:s4+s17], $0x80, s13, s17, $0xb8;
	[tilespmem:$0x1F220] =	vst v63  }
0x1f: {  	s19 =	simm.s32 $0x14028  }
0x20: {  	[tilespmem:s20], [sflag:$0x2] =	stream.indirect.gather [hbm4b:s4+s17], $0x80, s19, s17, $0xb8;
	[tilespmem:$0x1F220] =	vst v63  }
0x21: {  	s1 =	simm.s32 $0x14050  }
0x22: {  	[tilespmem:s22], [sflag:$0x3] =	stream.indirect.gather [hbm4b:s4+s17], $0x80, s1, s17, $0xb8;
	[tilespmem:$0x1F220] =	vst v63  }
0x23: {  	s15 =	simm.s32 $0x14078  }
0x24: {  	[tilespmem:s24], [sflag:$0x4] =	stream.indirect.gather [hbm4b:s4+s17], $0x80, s15, s17, $0xb8;
	[tilespmem:$0x1F220] =	vst v63  }
0x25: {  	s19 =	simm.s32 $0x140A0  }
0x26: {  	[tilespmem:s25], [sflag:$0x5] =	stream.indirect.gather [hbm4b:s4+s17], $0x80, s19, s17, $0xb8;
	[tilespmem:$0x1F220] =	vst v63  }
0x27: {  	_ =	swait.ge [sflag:s16], $0x1400  }
0x28: {  	[sflag:s16] =	ssyncset.done $0x0  }
0x29: {  	s1 =	simm.s32 $0x16710;
	[sflag:s16] =	ssyncadd.s32 $0xFFFFEC00  }
0x2a: {  	[spmem:s2] =	stream.indirect.scatter.add.f32 [tilespmem:s18], [sflag:$0x6], $0x80, s1, s17, $0xb8;
	[tilespmem:$0x1F220] =	vst v63  }
0x2b: {  	_ =	swait.ge [sflag:s14], $0x1400  }
0x2c: {  	[sflag:s14] =	ssyncset.done $0x0  }
0x2d: {  	s15 =	simm.s32 $0x140C8;
	[sflag:s14] =	ssyncadd.s32 $0xFFFFEC00  }
0x2e: {  	[tilespmem:s18], [sflag:$0x1] =	stream.indirect.gather [hbm4b:s4+s17], $0x80, s15, s17, $0xb8;
	[tilespmem:$0x1F220] =	vst v63  }
0x2f: {  	_ =	swait.ge [sflag:s26], $0x1400  }
0x30: {  	[sflag:s26] =	ssyncset.done $0x0  }
0x31: {  	s19 =	simm.s32 $0x16738;
	[sflag:s26] =	ssyncadd.s32 $0xFFFFEC00  }
0x32: {  	[spmem:s2] =	stream.indirect.scatter.add.f32 [tilespmem:s20], [sflag:$0x6], $0x80, s19, s17, $0xb8;
	[tilespmem:$0x1F220] =	vst v63  }
0x33: {  	_ =	swait.ge [sflag:s14], $0x1400  }
0x34: {  	[sflag:s14] =	ssyncset.done $0x0  }
0x35: {  	s1 =	simm.s32 $0x140F0;
	[sflag:s14] =	ssyncadd.s32 $0xFFFFEC00  }
0x36: {  	[tilespmem:s20], [sflag:$0x2] =	stream.indirect.gather [hbm4b:s4+s17], $0x80, s1, s17, $0xb8;
	[tilespmem:$0x1F220] =	vst v63  }
0x37: {  	_ =	swait.ge [sflag:s28], $0x1400  }
0x38: {  	[sflag:s28] =	ssyncset.done $0x0  }
0x39: {  	s15 =	simm.s32 $0x16760;
	[sflag:s28] =	ssyncadd.s32 $0xFFFFEC00  }
0x3a: {  	[spmem:s2] =	stream.indirect.scatter.add.f32 [tilespmem:s22], [sflag:$0x6], $0x80, s15, s17, $0xb8;
	[tilespmem:$0x1F220] =	vst v63  }
0x3b: {  	_ =	swait.ge [sflag:s14], $0x1400  }
0x3c: {  	[sflag:s14] =	ssyncset.done $0x0  }
0x3d: {  	s19 =	simm.s32 $0x14118;
	[sflag:s14] =	ssyncadd.s32 $0xFFFFEC00  }
0x3e: {  	[tilespmem:s22], [sflag:$0x3] =	stream.indirect.gather [hbm4b:s4+s17], $0x80, s19, s17, $0xb8;
	[tilespmem:$0x1F220] =	vst v63  }
0x3f: {  	_ =	swait.ge [sflag:s29], $0x1400  }
0x40: {  	[sflag:s29] =	ssyncset.done $0x0  }
0x41: {  	s1 =	simm.s32 $0x16788;
	[sflag:s29] =	ssyncadd.s32 $0xFFFFEC00  }
0x42: {  	[spmem:s2] =	stream.indirect.scatter.add.f32 [tilespmem:s24], [sflag:$0x6], $0x80, s1, s17, $0xb8;
	[tilespmem:$0x1F220] =	vst v63  }
0x43: {  	_ =	swait.ge [sflag:s14], $0x1400  }
0x44: {  	[sflag:s14] =	ssyncset.done $0x0  }
0x45: {  	s15 =	simm.s32 $0x14140;
	[sflag:s14] =	ssyncadd.s32 $0xFFFFEC00  }
0x46: {  	[tilespmem:s24], [sflag:$0x4] =	stream.indirect.gather [hbm4b:s4+s17], $0x80, s15, s17, $0xb8;
	[tilespmem:$0x1F220] =	vst v63  }
0x47: {  	_ =	swait.ge [sflag:s30], $0x1400  }
0x48: {  	[sflag:s30] =	ssyncset.done $0x0  }
0x49: {  	s19 =	simm.s32 $0x167B0;
	[sflag:s30] =	ssyncadd.s32 $0xFFFFEC00  }
0x4a: {  	[spmem:s2] =	stream.indirect.scatter.add.f32 [tilespmem:s25], [sflag:$0x6], $0x80, s19, s17, $0xb8;
	[tilespmem:$0x1F220] =	vst v63  }
0x4b: {  	_ =	swait.ge [sflag:s14], $0x1400  }
0x4c: {  	s31 =	simm.s32 $0xC8;
	s1 =	simm.s32 $0x640;
	[sflag:s14] =	ssyncset.done $0x0  }
.LBB2_2:
0x4d: {  	s19 =	sadd.s32 $0x140A0, s31  }
0x4e: {  	[sflag:s14] =	ssyncadd.s32 $0xFFFFEC00;
	s0 =	smov.u32 s1;
	s15 =	sadd.s32 $0x320, s1  }
0x4f: {  	[tilespmem:s25], [sflag:$0x5] =	stream.indirect.gather [hbm4b:s4+s17], $0x80, s19, s17, $0xb8;
	[tilespmem:$0x1F220] =	vst v63  }
0x50: {  	p0 =	sne.s32 s1, $0x9600;
	_ =	swait.ge [sflag:s16], $0x1400  }
0x51: {  	[sflag:s16] =	ssyncset.done $0x0  }
0x52: {  	s1 =	sadd.s32 $0x16710, s31;
	[sflag:s16] =	ssyncadd.s32 $0xFFFFEC00  }
0x53: {  	[spmem:s2] =	stream.indirect.scatter.add.f32 [tilespmem:s18], [sflag:$0x6], $0x80, s1, s17, $0xb8;
	[tilespmem:$0x1F220] =	vst v63  }
0x54: {  	_ =	swait.ge [sflag:s14], $0x1400  }
0x55: {  	[sflag:s14] =	ssyncset.done $0x0  }
0x56: {  	s1 =	sadd.s32 $0x140C8, s31;
	[sflag:s14] =	ssyncadd.s32 $0xFFFFEC00  }
0x57: {  	[tilespmem:s18], [sflag:$0x1] =	stream.indirect.gather [hbm4b:s4+s17], $0x80, s1, s17, $0xb8;
	[tilespmem:$0x1F220] =	vst v63  }
0x58: {  	_ =	swait.ge [sflag:s26], $0x1400  }
0x59: {  	[sflag:s26] =	ssyncset.done $0x0  }
0x5a: {  	s1 =	sadd.s32 $0x16738, s31;
	[sflag:s26] =	ssyncadd.s32 $0xFFFFEC00  }
0x5b: {  	[spmem:s2] =	stream.indirect.scatter.add.f32 [tilespmem:s20], [sflag:$0x6], $0x80, s1, s17, $0xb8;
	[tilespmem:$0x1F220] =	vst v63  }
0x5c: {  	_ =	swait.ge [sflag:s14], $0x1400  }
0x5d: {  	[sflag:s14] =	ssyncset.done $0x0  }
0x5e: {  	s1 =	sadd.s32 $0x140F0, s31;
	[sflag:s14] =	ssyncadd.s32 $0xFFFFEC00  }
0x5f: {  	[tilespmem:s20], [sflag:$0x2] =	stream.indirect.gather [hbm4b:s4+s17], $0x80, s1, s17, $0xb8;
	[tilespmem:$0x1F220] =	vst v63  }
0x60: {  	_ =	swait.ge [sflag:s28], $0x1400  }
0x61: {  	[sflag:s28] =	ssyncset.done $0x0  }
0x62: {  	s1 =	sadd.s32 $0x16760, s31;
	[sflag:s28] =	ssyncadd.s32 $0xFFFFEC00  }
0x63: {  	[spmem:s2] =	stream.indirect.scatter.add.f32 [tilespmem:s22], [sflag:$0x6], $0x80, s1, s17, $0xb8;
	[tilespmem:$0x1F220] =	vst v63  }
0x64: {  	_ =	swait.ge [sflag:s14], $0x1400  }
0x65: {  	[sflag:s14] =	ssyncset.done $0x0  }
0x66: {  	s1 =	sadd.s32 $0x14118, s31;
	[sflag:s14] =	ssyncadd.s32 $0xFFFFEC00  }
0x67: {  	[tilespmem:s22], [sflag:$0x3] =	stream.indirect.gather [hbm4b:s4+s17], $0x80, s1, s17, $0xb8;
	[tilespmem:$0x1F220] =	vst v63  }
0x68: {  	_ =	swait.ge [sflag:s29], $0x1400  }
0x69: {  	[sflag:s29] =	ssyncset.done $0x0  }
0x6a: {  	s1 =	sadd.s32 $0x16788, s31;
	[sflag:s29] =	ssyncadd.s32 $0xFFFFEC00  }
0x6b: {  	[spmem:s2] =	stream.indirect.scatter.add.f32 [tilespmem:s24], [sflag:$0x6], $0x80, s1, s17, $0xb8;
	[tilespmem:$0x1F220] =	vst v63  }
0x6c: {  	_ =	swait.ge [sflag:s14], $0x1400  }
0x6d: {  	[sflag:s14] =	ssyncset.done $0x0  }
0x6e: {  	s1 =	sadd.s32 $0x14140, s31;
	[sflag:s14] =	ssyncadd.s32 $0xFFFFEC00  }
0x6f: {  	[tilespmem:s24], [sflag:$0x4] =	stream.indirect.gather [hbm4b:s4+s17], $0x80, s1, s17, $0xb8;
	[tilespmem:$0x1F220] =	vst v63  }
0x70: {  	_ =	swait.ge [sflag:s30], $0x1400  }
.Ltmp0:
0x71: {  	[sflag:s30] =	ssyncset.done $0x0;
	(pc) =	sbr.rel @p0 .LBB2_2-.Ltmp0, $4  }
0x72: {  	s1 =	sadd.s32 $0x167B0, s31;
	[sflag:s30] =	ssyncadd.s32 $0xFFFFEC00  }
0x73: {  	[spmem:s2] =	stream.indirect.scatter.add.f32 [tilespmem:s25], [sflag:$0x6], $0x80, s1, s17, $0xb8;
	[tilespmem:$0x1F220] =	vst v63  }
0x74: {  	_ =	swait.ge [sflag:s14], $0x1400  }
0x75: {  	s31 =	sshra.s32 s0, $0x2;
	s1 =	smov.u32 s15;
	[sflag:s14] =	ssyncset.done $0x0  }
0x76: {  	s0 =	sadd.s32 $0x140A0, s31;
	[sflag:s14] =	ssyncadd.s32 $0xFFFFEC00  }
0x77: {  	[tilespmem:s25], [sflag:$0x5] =	stream.indirect.gather [hbm4b:s4+s17], $0x80, s0, s17, $0xb8;
	[tilespmem:$0x1F220] =	vst v63  }
0x78: {  	_ =	swait.ge [sflag:s16], $0x1400  }
0x79: {  	[sflag:s16] =	ssyncset.done $0x0  }
0x7a: {  	s19 =	sadd.s32 $0x16710, s31;
	[sflag:s16] =	ssyncadd.s32 $0xFFFFEC00  }
0x7b: {  	[spmem:s2] =	stream.indirect.scatter.add.f32 [tilespmem:s18], [sflag:$0x6], $0x80, s19, s17, $0xb8;
	[tilespmem:$0x1F220] =	vst v63  }
0x7c: {  	_ =	swait.ge [sflag:s14], $0x1400  }
0x7d: {  	[sflag:s14] =	ssyncset.done $0x0  }
0x7e: {  	s1 =	sadd.s32 $0x140C8, s31;
	[sflag:s14] =	ssyncadd.s32 $0xFFFFEC00  }
0x7f: {  	[tilespmem:s18], [sflag:$0x1] =	stream.indirect.gather [hbm4b:s4+s17], $0x80, s1, s17, $0xb8;
	[tilespmem:$0x1F220] =	vst v63  }
0x80: {  	_ =	swait.ge [sflag:s26], $0x1400  }
0x81: {  	[sflag:s26] =	ssyncset.done $0x0  }
0x82: {  	s15 =	sadd.s32 $0x16738, s31;
	[sflag:s26] =	ssyncadd.s32 $0xFFFFEC00  }
0x83: {  	[spmem:s2] =	stream.indirect.scatter.add.f32 [tilespmem:s20], [sflag:$0x6], $0x80, s15, s17, $0xb8;
	[tilespmem:$0x1F220] =	vst v63  }
0x84: {  	_ =	swait.ge [sflag:s14], $0x1400  }
0x85: {  	[sflag:s14] =	ssyncset.done $0x0  }
0x86: {  	s19 =	sadd.s32 $0x140F0, s31;
	[sflag:s14] =	ssyncadd.s32 $0xFFFFEC00  }
0x87: {  	[tilespmem:s20], [sflag:$0x2] =	stream.indirect.gather [hbm4b:s4+s17], $0x80, s19, s17, $0xb8;
	[tilespmem:$0x1F220] =	vst v63  }
0x88: {  	_ =	swait.ge [sflag:s28], $0x1400  }
0x89: {  	[sflag:s28] =	ssyncset.done $0x0  }
0x8a: {  	s1 =	sadd.s32 $0x16760, s31;
	[sflag:s28] =	ssyncadd.s32 $0xFFFFEC00  }
0x8b: {  	[spmem:s2] =	stream.indirect.scatter.add.f32 [tilespmem:s22], [sflag:$0x6], $0x80, s1, s17, $0xb8;
	[tilespmem:$0x1F220] =	vst v63  }
0x8c: {  	_ =	swait.ge [sflag:s14], $0x1400  }
0x8d: {  	[sflag:s14] =	ssyncset.done $0x0  }
0x8e: {  	s15 =	sadd.s32 $0x14118, s31;
	[sflag:s14] =	ssyncadd.s32 $0xFFFFEC00  }
0x8f: {  	[tilespmem:s22], [sflag:$0x3] =	stream.indirect.gather [hbm4b:s4+s17], $0x80, s15, s17, $0xb8;
	[tilespmem:$0x1F220] =	vst v63  }
0x90: {  	_ =	swait.ge [sflag:s29], $0x1400  }
0x91: {  	[sflag:s29] =	ssyncset.done $0x0  }
0x92: {  	s19 =	sadd.s32 $0x16788, s31;
	[sflag:s29] =	ssyncadd.s32 $0xFFFFEC00  }
0x93: {  	[spmem:s2] =	stream.indirect.scatter.add.f32 [tilespmem:s24], [sflag:$0x6], $0x80, s19, s17, $0xb8;
	[tilespmem:$0x1F220] =	vst v63  }
0x94: {  	_ =	swait.ge [sflag:s14], $0x1400  }
0x95: {  	[sflag:s14] =	ssyncset.done $0x0  }
0x96: {  	s1 =	sadd.s32 $0x14140, s31;
	[sflag:s14] =	ssyncadd.s32 $0xFFFFEC00  }
0x97: {  	[tilespmem:s24], [sflag:$0x4] =	stream.indirect.gather [hbm4b:s4+s17], $0x80, s1, s17, $0xb8;
	[tilespmem:$0x1F220] =	vst v63  }
0x98: {  	_ =	swait.ge [sflag:s30], $0x1400  }
0x99: {  	[sflag:s30] =	ssyncset.done $0x0  }
0x9a: {  	s15 =	sadd.s32 $0x167B0, s31;
	[sflag:s30] =	ssyncadd.s32 $0xFFFFEC00  }
0x9b: {  	[spmem:s2] =	stream.indirect.scatter.add.f32 [tilespmem:s25], [sflag:$0x6], $0x80, s15, s17, $0xb8;
	[tilespmem:$0x1F220] =	vst v63  }
0x9c: {  	_ =	swait.ge [sflag:s14], $0x1400  }
0x9d: {  	[sflag:s14] =	ssyncset.done $0x0  }
0x9e: {  	s19 =	simm.s32 $0x166E8;
	[sflag:s14] =	ssyncadd.s32 $0xFFFFEC00  }
0x9f: {  	[tilespmem:s25], [sflag:$0x5] =	stream.indirect.gather [hbm4b:s4+s17], $0x80, s19, s17, $0xb8;
	[tilespmem:$0x1F220] =	vst v63  }
0xa0: {  	_ =	swait.ge [sflag:s16], $0x1400  }
0xa1: {  	[sflag:s16] =	ssyncset.done $0x0  }
0xa2: {  	s31 =	simm.s32 $0x18D58;
	[sflag:s16] =	ssyncadd.s32 $0xFFFFEC00  }
0xa3: {  	[spmem:s2] =	stream.indirect.scatter.add.f32 [tilespmem:s18], [sflag:$0x6], $0x80, s31, s17, $0xb8;
	[tilespmem:$0x1F220] =	vst v63  }
0xa4: {  	_ =	swait.ge [sflag:s14], $0x1400  }
0xa5: {  	[sflag:s14] =	ssyncset.done $0x0  }
0xa6: {  	[sflag:s14] =	ssyncadd.s32 $0xFFFFEC00  }
0xa7: {  	_ =	swait.ge [sflag:s26], $0x1400  }
0xa8: {  	[sflag:s26] =	ssyncset.done $0x0  }
0xa9: {  	s1 =	simm.s32 $0x18D80;
	[sflag:s26] =	ssyncadd.s32 $0xFFFFEC00  }
0xaa: {  	[spmem:s2] =	stream.indirect.scatter.add.f32 [tilespmem:s20], [sflag:$0x6], $0x80, s1, s17, $0xb8;
	[tilespmem:$0x1F220] =	vst v63  }
0xab: {  	_ =	swait.ge [sflag:s14], $0x1400  }
0xac: {  	[sflag:s14] =	ssyncset.done $0x0  }
0xad: {  	[sflag:s14] =	ssyncadd.s32 $0xFFFFEC00  }
0xae: {  	_ =	swait.ge [sflag:s28], $0x1400  }
0xaf: {  	[sflag:s28] =	ssyncset.done $0x0  }
0xb0: {  	s15 =	simm.s32 $0x18DA8;
	[sflag:s28] =	ssyncadd.s32 $0xFFFFEC00  }
0xb1: {  	[spmem:s2] =	stream.indirect.scatter.add.f32 [tilespmem:s22], [sflag:$0x6], $0x80, s15, s17, $0xb8;
	[tilespmem:$0x1F220] =	vst v63  }
0xb2: {  	_ =	swait.ge [sflag:s14], $0x1400  }
0xb3: {  	[sflag:s14] =	ssyncset.done $0x0  }
0xb4: {  	[sflag:s14] =	ssyncadd.s32 $0xFFFFEC00  }
0xb5: {  	_ =	swait.ge [sflag:s29], $0x1400  }
0xb6: {  	[sflag:s29] =	ssyncset.done $0x0  }
0xb7: {  	s19 =	simm.s32 $0x18DD0;
	[sflag:s29] =	ssyncadd.s32 $0xFFFFEC00  }
0xb8: {  	[spmem:s2] =	stream.indirect.scatter.add.f32 [tilespmem:s24], [sflag:$0x6], $0x80, s19, s17, $0xb8;
	[tilespmem:$0x1F220] =	vst v63  }
0xb9: {  	_ =	swait.ge [sflag:s14], $0x1400  }
0xba: {  	[sflag:s14] =	ssyncset.done $0x0  }
0xbb: {  	[sflag:s14] =	ssyncadd.s32 $0xFFFFEC00  }
0xbc: {  	_ =	swait.ge [sflag:s30], $0x1400  }
0xbd: {  	[sflag:s30] =	ssyncset.done $0x0  }
0xbe: {  	[sflag:s30] =	ssyncadd.s32 $0xFFFFEC00  }
0xbf: {  	[spmem:s2] =	stream.indirect.scatter.add.f32 [tilespmem:s25], [sflag:$0x6], $0x80, s21, s17, $0xb8;
	[tilespmem:$0x1F220] =	vst v63  }
0xc0: {  	_ =	swait.ge [sflag:s14], $0x1400  }
0xc1: {  	s23 =	sadd.s32 $0x1, s23;
	[sflag:s14] =	ssyncset.done $0x0  }
0xc2: {  	p0 =	sne.s32 s23, s11;
	[sflag:s14] =	ssyncadd.s32 $0xFFFFEC00  }
.Ltmp1:
0xc3: {  	s31 =	sor.u32 $0x1C06, s6;
	[bflag:$0x0] =	sbarrier.arrive $0xFFFF;
	(pc) =	sbr.rel @p0 .LBB2_1-.Ltmp1, $4  }
0xc4: {  	[hbm:s10], [sflag:s31] =	dma.local [spmem:s12], $0x2800  }
0xc5: {  	_ =	swait.ge [sflag:s14], $0x2800  }
0xc6: {  	[sflag:s14] =	ssyncset.done $0x0  }
0xc7: {  	[sflag:s14] =	ssyncadd.s32 $0xFFFFD800  }
0xc8: {  	_ =	sfence.sel $0x180000  }
0xc9: {  	[bflag:$0x0] =	sbarrier.arrive $0xFFFF  }
0xca: {  	_ =	strace $0x9000004A  }
0xcb: {  	s0 =	stileid.u32;
	[bflag:$0x2] =	sbarrier.arrive $0xFFFF  }
0xcc: {  	p0 =	sne.s32 s0, $0x0;
	s0 =	rddreg [dreg:$0x2]  }
0xcd: {  	s0 =	sadd.s32 @!p0 $0x100000, s0  }
0xce: {  	[sflag:s0] =	ssyncadd.tile.s32 @!p0 $0x1;
	_ =	shalt  }
.Lfunc_end2:
_tile_overlayer_lowered:
.L_overlay_start_2:
0xcf: {  	(tag) =	ssettag $0x2  }
0xd0: {  	s0 =	rddreg [dreg:$0x0];
	s2 =	stileid.u32  }
0xd1: {  	s1 =	rddreg [dreg:$0x1];
	p0 =	sne.s32 s2, $0x0  }
0xd2: {  	s3 =	rddreg [dreg:$0x2];
	[bflag:$0x3] =	sbarrier.arrive $0xFFFF;
	s2 =	simm.s32 @!p0 $0x1C06  }
0xd3: {  	[timem:s3], [sflag:s2] =	dma.local @!p0 [hbm:s0], s1  }
0xd4: {  	s0 =	simm.s32 @!p0 $0x6  }
0xd5: {  	_ =	swait.ge @!p0 [sflag:s0], s1  }
0xd6: {  	s1 =	ssub.s32 @!p0 $0x0, s1;
	[sflag:s0] =	ssyncset.done @!p0 $0x0  }
0xd7: {  	[sflag:s0] =	ssyncadd.s32 @!p0 s1  }
0xd8: {  	[bflag:$0x3] =	sbarrier.arrive $0xFFFF  }
0xd9: {  	_ =	shalt  }

// kernel: kernel.14.cloned.1.call-start
scs
__scs_entry_jumppad:
0x0: {  	(pc) =	sbr.rel $0x88, $3  }
0x1: {  	(tag) =	ssettag $0x0;
	lr =	simm.s32 $0x1  }
0x2: {  	[smem:$0x3F98] =	sst lr;
	_ =	strace $0xD0000000  }
0x3: {  	_ = 	snop  }
0x4: {  	_ = 	snop  }
0x5: {  	_ = 	snop  }
0x6: {  	_ = 	snop  }
0x7: {  	_ = 	snop  }
__scs_overlays_trampoline_lowered:
0x8: {  	[smem:$0x3FA7] =	sst s0  }
0x9: {  	[smem:$0x3FA8] =	sst s1  }
0xa: {  	[smem:$0x3FA9] =	sst s2  }
0xb: {  	[smem:$0x3FAA] =	sst s3  }
0xc: {  	[smem:$0x3FAB] =	sst s4  }
0xd: {  	[smem:$0x3FAC] =	sst s5  }
0xe: {  	[smem:$0x3FAD] =	sst s6  }
0xf: {  	[smem:$0x3FAE] =	sst s7  }
0x10: {  	[smem:$0x3FAF] =	sst s8  }
0x11: {  	[smem:$0x3FB0] =	sst s9;
	s0 =	simm.s32 @!p0 $0x0  }
0x12: {  	s1 =	sld [smem:$0x3F96];
	s0 =	simm.s32 @p0 $0x1  }
0x13: {  	[smem:$0x3FB1] =	sst s0;
	s0 =	simm.s32 @!p1 $0x0  }
0x14: {  	s2 =	sld [smem:$0x3F95];
	s0 =	simm.s32 @p1 $0x1  }
0x15: {  	[smem:$0x3FB2] =	sst s0;
	s0 =	simm.s32 @!p2 $0x0  }
0x16: {  	s3 =	sld [smem:$0x3FDB];
	s0 =	simm.s32 @p2 $0x1  }
0x17: {  	s4 =	simm.s32 $0x1BF5;
	[smem:$0x3FB4] =	sst s0  }
0x18: {  	s0 =	sld [smem:$0x3F97];
	_ =	swait.ge [sflag:s4], $0x0  }
0x19: {  	s7 =	sld [smem:$0x3F98]  }
0x1a: {  	s8 =	sadd.s32 $0xFFFFE003, lr  }
0x1b: {  	s9 =	sadd.s32 $0xFFFFFEF7, lr;
	s5 =	simm.s32 $0xFFFFFFFF;
	p2 =	slt.u32 s8, $0xFFFFF086  }
0x1c: {  	p1 =	slt.u32 s9, $0xF7A;
	s5 =	simm.s32 @!p2 $0x0  }
0x1d: {  	s5 =	simm.s32 @p1 $0x1;
	p0 =	seq.s32 s7, s2  }
0x1e: {  	s7 =	smul.u32 @!p0 $0xF7A, s2;
	p2 =	seq.s32 @!p0 s5, $0x0  }
0x1f: {  	s9 =	smul.u32 $0xF7A, s1;
	s8 =	simm.s32 @!p0 $0x1BF5;
	p2 =	por !p2, p0  }
0x20: {  	[sflag:s8] =	ssyncset.s32 @!p0 $0xFFFFF086;
	s6 =	sadd.s32 @!p0 s3, s7;
	s7 =	simm.s32 @!p0 $0x108  }
0x21: {  	s3 =	sadd.s32 s3, s9;
	s6 =	sadd.s32 @!p0 $0x88, s6;
	s7 =	simm.s32 @p2 $0x1082  }
0x22: {  	[simem:s7], [sflag:s8] =	dma.local @!p0 [hbm:s6], $0xF7A  }
0x23: {  	s9 =	sor.u32 $0xD0000000, s2;
	s6 =	simm.s32 $0x108;
	_ =	swait.ge @!p0 [sflag:s8], $0x0  }
0x24: {  	s3 =	sadd.s32 $0x88, s3;
	s6 =	simm.s32 @!p1 $0x1082;
	[sflag:s4] =	ssyncset.s32 $0xFFFFF086  }
0x25: {  	[simem:s6], [sflag:s4] =	dma.local [hbm:s3], $0xF7A  }
0x26: {  	[smem:$0x3F98] =	sst s1;
	(tag) =	ssettag s2;
	_ =	strace s9  }
0x27: {  	s1 =	sld [smem:$0x3FA8]  }
0x28: {  	s2 =	sld [smem:$0x3FA9]  }
0x29: {  	s4 =	sld [smem:$0x3FAB]  }
0x2a: {  	p0 =	seq.s32 s5, $0x0;
	s5 =	sld [smem:$0x3FAC]  }
0x2b: {  	s6 =	sld [smem:$0x3FAD]  }
0x2c: {  	s7 =	sld [smem:$0x3FAE]  }
0x2d: {  	s3 =	simm.s32 $0x108;
	s8 =	sld [smem:$0x3FAF]  }
0x2e: {  	s3 =	simm.s32 @!p0 $0x1082;
	s9 =	sld [smem:$0x3FB0]  }
0x2f: {  	lr =	sadd.s32 s0, s3;
	s0 =	sld [smem:$0x3FA7]  }
0x30: {  	s3 =	sld [smem:$0x3FAA]  }
0x31: {  	[smem:$0x3FB3] =	sst s10  }
0x32: {  	s10 =	sld [smem:$0x3FB1];
	_ =	sdelay $0x3  }
0x33: {  	p0 =	seq.s32 s10, $0x1;
	s10 =	sld [smem:$0x3FB3];
	_ =	sdelay $0x3  }
0x34: {  	[smem:$0x3FB3] =	sst s10  }
0x35: {  	s10 =	sld [smem:$0x3FB2];
	_ =	sdelay $0x3  }
0x36: {  	p1 =	seq.s32 s10, $0x1;
	s10 =	sld [smem:$0x3FB3];
	_ =	sdelay $0x3  }
0x37: {  	[smem:$0x3FB3] =	sst s10  }
0x38: {  	s10 =	sld [smem:$0x3FB4]  }
0x39: {  	_ = 	snop;
	(pc) =	sbr.ind lr, $3  }
0x3a: {  	_ = 	snop  }
0x3b: {  	_ = 	snop  }
0x3c: {  	p2 =	seq.s32 s10, $0x1;
	s10 =	sld [smem:$0x3FB3]  }
0x3d: {  	_ =	shalt  }
0x3e: {  	_ =	shalt  }
0x3f: {  	_ =	shalt  }
0x40: {  	_ =	shalt  }
0x41: {  	_ =	shalt  }
0x42: {  	_ =	shalt  }
0x43: {  	_ =	shalt  }
0x44: {  	_ =	shalt  }
0x45: {  	_ =	shalt  }
0x46: {  	_ =	shalt  }
0x47: {  	_ =	shalt  }
0x48: {  	_ =	shalt  }
0x49: {  	_ =	shalt  }
0x4a: {  	_ =	shalt  }
0x4b: {  	_ =	shalt  }
0x4c: {  	_ =	shalt  }
0x4d: {  	_ =	shalt  }
0x4e: {  	_ =	shalt  }
0x4f: {  	_ =	shalt  }
0x50: {  	_ =	shalt  }
0x51: {  	_ =	shalt  }
0x52: {  	_ =	shalt  }
0x53: {  	_ =	shalt  }
0x54: {  	_ =	shalt  }
0x55: {  	_ =	shalt  }
0x56: {  	_ =	shalt  }
0x57: {  	_ =	shalt  }
0x58: {  	_ =	shalt  }
0x59: {  	_ =	shalt  }
0x5a: {  	_ =	shalt  }
0x5b: {  	_ =	shalt  }
0x5c: {  	_ =	shalt  }
0x5d: {  	_ =	shalt  }
0x5e: {  	_ =	shalt  }
0x5f: {  	_ =	shalt  }
0x60: {  	_ =	shalt  }
0x61: {  	_ =	shalt  }
0x62: {  	_ =	shalt  }
0x63: {  	_ =	shalt  }
0x64: {  	_ =	shalt  }
0x65: {  	_ =	shalt  }
0x66: {  	_ =	shalt  }
0x67: {  	_ =	shalt  }
0x68: {  	_ =	shalt  }
0x69: {  	_ =	shalt  }
0x6a: {  	_ =	shalt  }
0x6b: {  	_ =	shalt  }
0x6c: {  	_ =	shalt  }
0x6d: {  	_ =	shalt  }
0x6e: {  	_ =	shalt  }
0x6f: {  	_ =	shalt  }
0x70: {  	_ =	shalt  }
0x71: {  	_ =	shalt  }
0x72: {  	_ =	shalt  }
0x73: {  	_ =	shalt  }
0x74: {  	_ =	shalt  }
0x75: {  	_ =	shalt  }
0x76: {  	_ =	shalt  }
0x77: {  	_ =	shalt  }
0x78: {  	_ =	shalt  }
0x79: {  	_ =	shalt  }
0x7a: {  	_ =	shalt  }
0x7b: {  	_ =	shalt  }
0x7c: {  	_ =	shalt  }
0x7d: {  	_ =	shalt  }
0x7e: {  	_ =	shalt  }
0x7f: {  	_ =	shalt  }
0x80: {  	_ =	shalt  }
0x81: {  	_ =	shalt  }
0x82: {  	_ =	shalt  }
0x83: {  	_ =	shalt  }
0x84: {  	_ =	shalt  }
0x85: {  	_ =	shalt  }
0x86: {  	_ =	shalt  }
0x87: {  	_ =	shalt  }
.Lfunc_end0:
.L_simem_size_0:
called_computation.2_lowered:
.L_overlay_start_0:
0x88: {  	s2 =	sld [smem:$0x3FD9]  }
0x89: {  	s3 =	sld [smem:$0x3FFE];
	_ =	sdelay $0x1  }
0x8a: {  	s1 =	srdreg.scid  }
0x8b: {  	s0 =	sand.u32 $0x1, s1  }
0x8c: {  	s16 =	sshll.u32 s0, $0xA;
	s2 =	sadd.s32 s3, s2  }
0x8d: {  	s2 =	sadd.s32 s2, s16  }
0x8e: {  	[smem:$0x3FBF] =	sst s2  }
0x8f: {  	_ = 	snop  }
0x90: {  	(tm) =	ssettm $0x1  }
0x91: {  	s17 =	sld [smem:$0x3FFB];
	_ =	sdelay $0x3  }
0x92: {  	_ =	strace s17  }
0x93: {  	s2 =	sld [smem:$0x3FFC];
	_ =	sdelay $0x3  }
0x94: {  	_ =	strace s2  }
0x95: {  	s2 =	sld [smem:$0x3FFD];
	_ =	sdelay $0x3  }
0x96: {  	_ =	strace s2  }
0x97: {  	_ =	strace $0x8FFFFFFF  }
0x98: {  	s18 =	sld [smem:$0x3FDB];
	_ =	sdelay $0x1  }
0x99: {  	s19 =	simm.s32 $_scs_section_size  }
0x9a: {  	s4 =	simm.s32 $_size__tile_overlayer_lowered;
	s5 =	simm.s32 $_tile_overlayer_lowered  }
0x9b: {  	s22 =	simm.s32 $0x1BFF;
	s21 =	sshll.u32 s5, $0x1;
	s2 =	sadd.s32 s19, s18  }
0x9c: {  	s6 =	simm.s32 $0x0;
	s20 =	sshll.u32 s4, $0x1;
	s4 =	sadd.s32 s21, s2  }
0x9d: {  	[timem:s6], [sflag:s22] =	dma.local [hbm:s4], s20  }
0x9e: {  	_ =	swait.ge [sflag:s22], s20  }
0x9f: {  	s3 =	ssub.s32 $0x0, s20;
	[sflag:s22] =	ssyncset.done $0x0  }
0xa0: {  	[sflag:s22] =	ssyncadd.s32 s3;
	_ =	sdelay $0x1  }
0xa1: {  	s23 =	simm.s32 $0x1B8B  }
0xa2: {  	_ =	swait.ge [sflag:s23], $0x1  }
0xa3: {  	[sflag:s23] =	ssyncset.done $0x0  }
0xa4: {  	s25 =	simm.s32 $0x1B8E;
	s24 =	sld [smem:$0x3FFE];
	[sflag:s23] =	ssyncadd.s32 $0xFFFFFFFF  }
0xa5: {  	s26 =	simm.s32 $execute0_lowered;
	[smem:$0x3FD2] =	sst s25  }
0xa6: {  	s4 =	sshll.u32 s26, $0x1;
	_ =	strace $0x8000004C;
	[dreg:$0x1] =	wrdreg $0xFFFFFFFF  }
0xa7: {  	s28 =	simm.s32 $_size_execute0_lowered;
	s2 =	sadd.s32 s2, s4;
	[dreg:$0x0] =	wrdreg $0x0  }
0xa8: {  	s4 =	sshll.u32 s28, $0x1;
	[dreg:$0x2] =	wrdreg s2  }
0xa9: {  	[dreg:$0x3] =	wrdreg s4  }
0xaa: {  	[dreg:$0x4] =	wrdreg $0xC0  }
0xab: {  	_ =	task [dreg:s6], $0x5FFFF  }
0xac: {  	[dreg:$0x1] =	wrdreg $0xFFFFFFFF  }
0xad: {  	[dreg:$0x0] =	wrdreg $0x60  }
0xae: {  	[dreg:$0x2] =	wrdreg s24  }
0xaf: {  	[dreg:$0x3] =	wrdreg $0x0  }
0xb0: {  	[dreg:$0x4] =	wrdreg $0x9  }
0xb1: {  	_ =	task.clear_ibuf [dreg:s6], $0x5FFFF;
	_ =	strace $0x9000004C  }
0xb2: {  	s29 =	simm.s32 $0x9;
	_ =	strace $0x8000004E  }
0xb3: {  	_ =	swait.ge [sflag:s29], $0x1  }
0xb4: {  	[sflag:s29] =	ssyncadd.s32 $0xFFFFFFFF  }
0xb5: {  	_ =	strace $0x9000004E  }
0xb6: {  	_ =	sfence  }
0xb7: {  	s30 =	sld [smem:$0x0];
	_ =	sdelay $0x2  }
0xb8: {  	s31 =	sshll.u32 s1, $0xD;
	s1 =	sshrl.u32 s1, $0x2  }
0xb9: {  	s3 =	sand.u32 $0x4000, s31;
	s1 =	sadd.s32 s1, s30  }
0xba: {  	s0 =	sor.u32 s3, s0;
	s1 =	sshll.u32 s1, $0x11  }
0xbb: {  	s0 =	sor.u32 s1, s0  }
0xbc: {  	s0 =	sadd.s32 $0x8F2B, s0  }
0xbd: {  	[sflag:s0] =	ssyncadd.remote.s32 $0x1  }
0xbe: {  	_ =	sfence.sel $0xFFFF  }
0xbf: {  	[dreg:$0x0] =	wrdreg $0xFFFFFFFF;
	(pc) =	sbr.abs _section_cstart, $3  }
0xc0: {  	[dreg:$0x1] =	wrdreg $0xFFFFFFFF  }
0xc1: {  	_ =	task.clear_ibuf [dreg:s6], $0x2FFFF;
	_ =	strace $0x9FFFFFFF  }
0xc2: {  	(tm) =	ssettm $0x7FFFFFFF  }
0xc3: {  	_ =	shalt  }
tec
execute0_lowered:
.L_overlay_start_1:
0x0: {  	(tag) =	ssettag $0x1  }
0x1: {  	s0 =	srdreg.scid;
	s5 =	rddreg [dreg:$0x0]  }
0x2: {  	s11 =	stileid.u32;
	s2 =	rddreg [dreg:$0x1];
	s3 =	simm.s32 $0x0  }
0x3: {  	s13 =	simm.s32 $0x14000;
	s14 =	simm.s32 $0x6;
	s16 =	simm.s32 $0x1  }
0x4: {  	s17 =	simm.s32 $0x28;
	s18 =	simm.s32 $0x18E20;
	s20 =	simm.s32 $0x1A220  }
0x5: {  	s22 =	simm.s32 $0x1B620;
	s24 =	simm.s32 $0x1CA20;
	s25 =	simm.s32 $0x1DE20  }
0x6: {  	s26 =	simm.s32 $0x2;
	s28 =	simm.s32 $0x3;
	s29 =	simm.s32 $0x4  }
0x7: {  	s30 =	simm.s32 $0x5;
	s21 =	simm.s32 $0x18DF8;
	s23 =	simm.s32 $0x0  }
0x8: {  	s0 =	sand.u32 $0x1, s0;
	s6 =	smul.u32 $0x14000, s11;
	[smem:$0x7FF] =	sst s3  }
0x9: {  	s4 =	sadd.s32 $0x67000, s5;
	s1 =	sshll.u32 s0, $0x4;
	s7 =	smul.u32 $0x140000, s0  }
0xa: {  	_ =	strace $0x8000004D;
	s0 =	ssub.s32 $0x2, s0;
	s1 =	sor.u32 s11, s1  }
0xb: {  	s8 =	sshrl.u32 s6, $0x3;
	s9 =	sshrl.u32 s0, $0x1;
	s12 =	sadd.s32 s6, s2  }
0xc: {  	s1 =	smul.u32 $0x4E2, s1;
	s7 =	sadd.s32 s6, s7;
	s8 =	sadd.s32 s8, s5  }
0xd: {  	s0 =	ssub.s32 s0, s9;
	s6 =	sshll.u32 s11, $0x6;
	s12 =	sshrl.u32 s12, $0x3  }
0xe: {  	s7 =	sshrl.u32 s7, $0x3;
	s11 =	smax.u32 s0, $0x1;
	s1 =	sadd.s32 s1, s5  }
0xf: {  	s10 =	sadd.s32 s7, s5;
	s5 =	sadd.s32 $0x8F000, s8;
	s7 =	sor.u32 $0x1C01, s6  }
0x10: {  	s8 =	sadd.s32 $0x3400, s1;
	s9 =	sadd.s32 $0xD200, s1;
	s10 =	sadd.s32 $0xB7000, s10  }
.LBB2_1:
0x11: {  	[spmem:s12], [sflag:s7] =	dma.local [hbm:s5], $0x2800  }
0x12: {  	[tilespmem:s13], [sflag:$0x6] =	stream.linear.gather [hbm4b:s8+s3], $0x2710, $0x38;
	[tilespmem:$0x1F220] =	vst v63  }
0x13: {  	_ =	swait.ge [sflag:s14], $0x2710  }
0x14: {  	[sflag:s14] =	ssyncset.done $0x0  }
0x15: {  	s0 =	simm.s32 $0x16710;
	[sflag:s14] =	ssyncadd.s32 $0xFFFFD8F0  }
0x16: {  	[tilespmem:s0], [sflag:$0x6] =	stream.linear.gather [hbm4b:s9+s3], $0x2710, $0x38;
	[tilespmem:$0x1F220] =	vst v63  }
0x17: {  	_ =	swait.ge [sflag:s14], $0x2710  }
0x18: {  	[sflag:s14] =	ssyncset.done $0x0  }
0x19: {  	[sflag:s14] =	ssyncadd.s32 $0xFFFFD8F0  }
0x1a: {  	_ =	swait.ge [sflag:s16], $0x2800  }
0x1b: {  	[sflag:s16] =	ssyncset.done $0x0  }
0x1c: {  	[sflag:s16] =	ssyncadd.s32 $0xFFFFD800  }
0x1d: {  	[bflag:$0x0] =	sbarrier.arrive $0xFFFF  }
0x1e: {  	[tilespmem:s18], [sflag:$0x1] =	stream.indirect.gather [hbm4b:s4+s17], $0x80, s13, s17, $0xb8;
	[tilespmem:$0x1F220] =	vst v63  }
0x1f: {  	s19 =	simm.s32 $0x14028  }
0x20: {  	[tilespmem:s20], [sflag:$0x2] =	stream.indirect.gather [hbm4b:s4+s17], $0x80, s19, s17, $0xb8;
	[tilespmem:$0x1F220] =	vst v63  }
0x21: {  	s1 =	simm.s32 $0x14050  }
0x22: {  	[tilespmem:s22], [sflag:$0x3] =	stream.indirect.gather [hbm4b:s4+s17], $0x80, s1, s17, $0xb8;
	[tilespmem:$0x1F220] =	vst v63  }
0x23: {  	s15 =	simm.s32 $0x14078  }
0x24: {  	[tilespmem:s24], [sflag:$0x4] =	stream.indirect.gather [hbm4b:s4+s17], $0x80, s15, s17, $0xb8;
	[tilespmem:$0x1F220] =	vst v63  }
0x25: {  	s19 =	simm.s32 $0x140A0  }
0x26: {  	[tilespmem:s25], [sflag:$0x5] =	stream.indirect.gather [hbm4b:s4+s17], $0x80, s19, s17, $0xb8;
	[tilespmem:$0x1F220] =	vst v63  }
0x27: {  	_ =	swait.ge [sflag:s16], $0x1400  }
0x28: {  	[sflag:s16] =	ssyncset.done $0x0  }
0x29: {  	s1 =	simm.s32 $0x16710;
	[sflag:s16] =	ssyncadd.s32 $0xFFFFEC00  }
0x2a: {  	[spmem:s2] =	stream.indirect.scatter.add.f32 [tilespmem:s18], [sflag:$0x6], $0x80, s1, s17, $0xb8;
	[tilespmem:$0x1F220] =	vst v63  }
0x2b: {  	_ =	swait.ge [sflag:s14], $0x1400  }
0x2c: {  	[sflag:s14] =	ssyncset.done $0x0  }
0x2d: {  	s15 =	simm.s32 $0x140C8;
	[sflag:s14] =	ssyncadd.s32 $0xFFFFEC00  }
0x2e: {  	[tilespmem:s18], [sflag:$0x1] =	stream.indirect.gather [hbm4b:s4+s17], $0x80, s15, s17, $0xb8;
	[tilespmem:$0x1F220] =	vst v63  }
0x2f: {  	_ =	swait.ge [sflag:s26], $0x1400  }
0x30: {  	[sflag:s26] =	ssyncset.done $0x0  }
0x31: {  	s19 =	simm.s32 $0x16738;
	[sflag:s26] =	ssyncadd.s32 $0xFFFFEC00  }
0x32: {  	[spmem:s2] =	stream.indirect.scatter.add.f32 [tilespmem:s20], [sflag:$0x6], $0x80, s19, s17, $0xb8;
	[tilespmem:$0x1F220] =	vst v63  }
0x33: {  	_ =	swait.ge [sflag:s14], $0x1400  }
0x34: {  	[sflag:s14] =	ssyncset.done $0x0  }
0x35: {  	s1 =	simm.s32 $0x140F0;
	[sflag:s14] =	ssyncadd.s32 $0xFFFFEC00  }
0x36: {  	[tilespmem:s20], [sflag:$0x2] =	stream.indirect.gather [hbm4b:s4+s17], $0x80, s1, s17, $0xb8;
	[tilespmem:$0x1F220] =	vst v63  }
0x37: {  	_ =	swait.ge [sflag:s28], $0x1400  }
0x38: {  	[sflag:s28] =	ssyncset.done $0x0  }
0x39: {  	s15 =	simm.s32 $0x16760;
	[sflag:s28] =	ssyncadd.s32 $0xFFFFEC00  }
0x3a: {  	[spmem:s2] =	stream.indirect.scatter.add.f32 [tilespmem:s22], [sflag:$0x6], $0x80, s15, s17, $0xb8;
	[tilespmem:$0x1F220] =	vst v63  }
0x3b: {  	_ =	swait.ge [sflag:s14], $0x1400  }
0x3c: {  	[sflag:s14] =	ssyncset.done $0x0  }
0x3d: {  	s19 =	simm.s32 $0x14118;
	[sflag:s14] =	ssyncadd.s32 $0xFFFFEC00  }
0x3e: {  	[tilespmem:s22], [sflag:$0x3] =	stream.indirect.gather [hbm4b:s4+s17], $0x80, s19, s17, $0xb8;
	[tilespmem:$0x1F220] =	vst v63  }
0x3f: {  	_ =	swait.ge [sflag:s29], $0x1400  }
0x40: {  	[sflag:s29] =	ssyncset.done $0x0  }
0x41: {  	s1 =	simm.s32 $0x16788;
	[sflag:s29] =	ssyncadd.s32 $0xFFFFEC00  }
0x42: {  	[spmem:s2] =	stream.indirect.scatter.add.f32 [tilespmem:s24], [sflag:$0x6], $0x80, s1, s17, $0xb8;
	[tilespmem:$0x1F220] =	vst v63  }
0x43: {  	_ =	swait.ge [sflag:s14], $0x1400  }
0x44: {  	[sflag:s14] =	ssyncset.done $0x0  }
0x45: {  	s15 =	simm.s32 $0x14140;
	[sflag:s14] =	ssyncadd.s32 $0xFFFFEC00  }
0x46: {  	[tilespmem:s24], [sflag:$0x4] =	stream.indirect.gather [hbm4b:s4+s17], $0x80, s15, s17, $0xb8;
	[tilespmem:$0x1F220] =	vst v63  }
0x47: {  	_ =	swait.ge [sflag:s30], $0x1400  }
0x48: {  	[sflag:s30] =	ssyncset.done $0x0  }
0x49: {  	s19 =	simm.s32 $0x167B0;
	[sflag:s30] =	ssyncadd.s32 $0xFFFFEC00  }
0x4a: {  	[spmem:s2] =	stream.indirect.scatter.add.f32 [tilespmem:s25], [sflag:$0x6], $0x80, s19, s17, $0xb8;
	[tilespmem:$0x1F220] =	vst v63  }
0x4b: {  	_ =	swait.ge [sflag:s14], $0x1400  }
0x4c: {  	s31 =	simm.s32 $0xC8;
	s1 =	simm.s32 $0x640;
	[sflag:s14] =	ssyncset.done $0x0  }
.LBB2_2:
0x4d: {  	s19 =	sadd.s32 $0x140A0, s31  }
0x4e: {  	[sflag:s14] =	ssyncadd.s32 $0xFFFFEC00;
	s0 =	smov.u32 s1;
	s15 =	sadd.s32 $0x320, s1  }
0x4f: {  	[tilespmem:s25], [sflag:$0x5] =	stream.indirect.gather [hbm4b:s4+s17], $0x80, s19, s17, $0xb8;
	[tilespmem:$0x1F220] =	vst v63  }
0x50: {  	p0 =	sne.s32 s1, $0x9600;
	_ =	swait.ge [sflag:s16], $0x1400  }
0x51: {  	[sflag:s16] =	ssyncset.done $0x0  }
0x52: {  	s1 =	sadd.s32 $0x16710, s31;
	[sflag:s16] =	ssyncadd.s32 $0xFFFFEC00  }
0x53: {  	[spmem:s2] =	stream.indirect.scatter.add.f32 [tilespmem:s18], [sflag:$0x6], $0x80, s1, s17, $0xb8;
	[tilespmem:$0x1F220] =	vst v63  }
0x54: {  	_ =	swait.ge [sflag:s14], $0x1400  }
0x55: {  	[sflag:s14] =	ssyncset.done $0x0  }
0x56: {  	s1 =	sadd.s32 $0x140C8, s31;
	[sflag:s14] =	ssyncadd.s32 $0xFFFFEC00  }
0x57: {  	[tilespmem:s18], [sflag:$0x1] =	stream.indirect.gather [hbm4b:s4+s17], $0x80, s1, s17, $0xb8;
	[tilespmem:$0x1F220] =	vst v63  }
0x58: {  	_ =	swait.ge [sflag:s26], $0x1400  }
0x59: {  	[sflag:s26] =	ssyncset.done $0x0  }
0x5a: {  	s1 =	sadd.s32 $0x16738, s31;
	[sflag:s26] =	ssyncadd.s32 $0xFFFFEC00  }
0x5b: {  	[spmem:s2] =	stream.indirect.scatter.add.f32 [tilespmem:s20], [sflag:$0x6], $0x80, s1, s17, $0xb8;
	[tilespmem:$0x1F220] =	vst v63  }
0x5c: {  	_ =	swait.ge [sflag:s14], $0x1400  }
0x5d: {  	[sflag:s14] =	ssyncset.done $0x0  }
0x5e: {  	s1 =	sadd.s32 $0x140F0, s31;
	[sflag:s14] =	ssyncadd.s32 $0xFFFFEC00  }
0x5f: {  	[tilespmem:s20], [sflag:$0x2] =	stream.indirect.gather [hbm4b:s4+s17], $0x80, s1, s17, $0xb8;
	[tilespmem:$0x1F220] =	vst v63  }
0x60: {  	_ =	swait.ge [sflag:s28], $0x1400  }
0x61: {  	[sflag:s28] =	ssyncset.done $0x0  }
0x62: {  	s1 =	sadd.s32 $0x16760, s31;
	[sflag:s28] =	ssyncadd.s32 $0xFFFFEC00  }
0x63: {  	[spmem:s2] =	stream.indirect.scatter.add.f32 [tilespmem:s22], [sflag:$0x6], $0x80, s1, s17, $0xb8;
	[tilespmem:$0x1F220] =	vst v63  }
0x64: {  	_ =	swait.ge [sflag:s14], $0x1400  }
0x65: {  	[sflag:s14] =	ssyncset.done $0x0  }
0x66: {  	s1 =	sadd.s32 $0x14118, s31;
	[sflag:s14] =	ssyncadd.s32 $0xFFFFEC00  }
0x67: {  	[tilespmem:s22], [sflag:$0x3] =	stream.indirect.gather [hbm4b:s4+s17], $0x80, s1, s17, $0xb8;
	[tilespmem:$0x1F220] =	vst v63  }
0x68: {  	_ =	swait.ge [sflag:s29], $0x1400  }
0x69: {  	[sflag:s29] =	ssyncset.done $0x0  }
0x6a: {  	s1 =	sadd.s32 $0x16788, s31;
	[sflag:s29] =	ssyncadd.s32 $0xFFFFEC00  }
0x6b: {  	[spmem:s2] =	stream.indirect.scatter.add.f32 [tilespmem:s24], [sflag:$0x6], $0x80, s1, s17, $0xb8;
	[tilespmem:$0x1F220] =	vst v63  }
0x6c: {  	_ =	swait.ge [sflag:s14], $0x1400  }
0x6d: {  	[sflag:s14] =	ssyncset.done $0x0  }
0x6e: {  	s1 =	sadd.s32 $0x14140, s31;
	[sflag:s14] =	ssyncadd.s32 $0xFFFFEC00  }
0x6f: {  	[tilespmem:s24], [sflag:$0x4] =	stream.indirect.gather [hbm4b:s4+s17], $0x80, s1, s17, $0xb8;
	[tilespmem:$0x1F220] =	vst v63  }
0x70: {  	_ =	swait.ge [sflag:s30], $0x1400  }
.Ltmp0:
0x71: {  	[sflag:s30] =	ssyncset.done $0x0;
	(pc) =	sbr.rel @p0 .LBB2_2-.Ltmp0, $4  }
0x72: {  	s1 =	sadd.s32 $0x167B0, s31;
	[sflag:s30] =	ssyncadd.s32 $0xFFFFEC00  }
0x73: {  	[spmem:s2] =	stream.indirect.scatter.add.f32 [tilespmem:s25], [sflag:$0x6], $0x80, s1, s17, $0xb8;
	[tilespmem:$0x1F220] =	vst v63  }
0x74: {  	_ =	swait.ge [sflag:s14], $0x1400  }
0x75: {  	s31 =	sshra.s32 s0, $0x2;
	s1 =	smov.u32 s15;
	[sflag:s14] =	ssyncset.done $0x0  }
0x76: {  	s0 =	sadd.s32 $0x140A0, s31;
	[sflag:s14] =	ssyncadd.s32 $0xFFFFEC00  }
0x77: {  	[tilespmem:s25], [sflag:$0x5] =	stream.indirect.gather [hbm4b:s4+s17], $0x80, s0, s17, $0xb8;
	[tilespmem:$0x1F220] =	vst v63  }
0x78: {  	_ =	swait.ge [sflag:s16], $0x1400  }
0x79: {  	[sflag:s16] =	ssyncset.done $0x0  }
0x7a: {  	s19 =	sadd.s32 $0x16710, s31;
	[sflag:s16] =	ssyncadd.s32 $0xFFFFEC00  }
0x7b: {  	[spmem:s2] =	stream.indirect.scatter.add.f32 [tilespmem:s18], [sflag:$0x6], $0x80, s19, s17, $0xb8;
	[tilespmem:$0x1F220] =	vst v63  }
0x7c: {  	_ =	swait.ge [sflag:s14], $0x1400  }
0x7d: {  	[sflag:s14] =	ssyncset.done $0x0  }
0x7e: {  	s1 =	sadd.s32 $0x140C8, s31;
	[sflag:s14] =	ssyncadd.s32 $0xFFFFEC00  }
0x7f: {  	[tilespmem:s18], [sflag:$0x1] =	stream.indirect.gather [hbm4b:s4+s17], $0x80, s1, s17, $0xb8;
	[tilespmem:$0x1F220] =	vst v63  }
0x80: {  	_ =	swait.ge [sflag:s26], $0x1400  }
0x81: {  	[sflag:s26] =	ssyncset.done $0x0  }
0x82: {  	s15 =	sadd.s32 $0x16738, s31;
	[sflag:s26] =	ssyncadd.s32 $0xFFFFEC00  }
0x83: {  	[spmem:s2] =	stream.indirect.scatter.add.f32 [tilespmem:s20], [sflag:$0x6], $0x80, s15, s17, $0xb8;
	[tilespmem:$0x1F220] =	vst v63  }
0x84: {  	_ =	swait.ge [sflag:s14], $0x1400  }
0x85: {  	[sflag:s14] =	ssyncset.done $0x0  }
0x86: {  	s19 =	sadd.s32 $0x140F0, s31;
	[sflag:s14] =	ssyncadd.s32 $0xFFFFEC00  }
0x87: {  	[tilespmem:s20], [sflag:$0x2] =	stream.indirect.gather [hbm4b:s4+s17], $0x80, s19, s17, $0xb8;
	[tilespmem:$0x1F220] =	vst v63  }
0x88: {  	_ =	swait.ge [sflag:s28], $0x1400  }
0x89: {  	[sflag:s28] =	ssyncset.done $0x0  }
0x8a: {  	s1 =	sadd.s32 $0x16760, s31;
	[sflag:s28] =	ssyncadd.s32 $0xFFFFEC00  }
0x8b: {  	[spmem:s2] =	stream.indirect.scatter.add.f32 [tilespmem:s22], [sflag:$0x6], $0x80, s1, s17, $0xb8;
	[tilespmem:$0x1F220] =	vst v63  }
0x8c: {  	_ =	swait.ge [sflag:s14], $0x1400  }
0x8d: {  	[sflag:s14] =	ssyncset.done $0x0  }
0x8e: {  	s15 =	sadd.s32 $0x14118, s31;
	[sflag:s14] =	ssyncadd.s32 $0xFFFFEC00  }
0x8f: {  	[tilespmem:s22], [sflag:$0x3] =	stream.indirect.gather [hbm4b:s4+s17], $0x80, s15, s17, $0xb8;
	[tilespmem:$0x1F220] =	vst v63  }
0x90: {  	_ =	swait.ge [sflag:s29], $0x1400  }
0x91: {  	[sflag:s29] =	ssyncset.done $0x0  }
0x92: {  	s19 =	sadd.s32 $0x16788, s31;
	[sflag:s29] =	ssyncadd.s32 $0xFFFFEC00  }
0x93: {  	[spmem:s2] =	stream.indirect.scatter.add.f32 [tilespmem:s24], [sflag:$0x6], $0x80, s19, s17, $0xb8;
	[tilespmem:$0x1F220] =	vst v63  }
0x94: {  	_ =	swait.ge [sflag:s14], $0x1400  }
0x95: {  	[sflag:s14] =	ssyncset.done $0x0  }
0x96: {  	s1 =	sadd.s32 $0x14140, s31;
	[sflag:s14] =	ssyncadd.s32 $0xFFFFEC00  }
0x97: {  	[tilespmem:s24], [sflag:$0x4] =	stream.indirect.gather [hbm4b:s4+s17], $0x80, s1, s17, $0xb8;
	[tilespmem:$0x1F220] =	vst v63  }
0x98: {  	_ =	swait.ge [sflag:s30], $0x1400  }
0x99: {  	[sflag:s30] =	ssyncset.done $0x0  }
0x9a: {  	s15 =	sadd.s32 $0x167B0, s31;
	[sflag:s30] =	ssyncadd.s32 $0xFFFFEC00  }
0x9b: {  	[spmem:s2] =	stream.indirect.scatter.add.f32 [tilespmem:s25], [sflag:$0x6], $0x80, s15, s17, $0xb8;
	[tilespmem:$0x1F220] =	vst v63  }
0x9c: {  	_ =	swait.ge [sflag:s14], $0x1400  }
0x9d: {  	[sflag:s14] =	ssyncset.done $0x0  }
0x9e: {  	s19 =	simm.s32 $0x166E8;
	[sflag:s14] =	ssyncadd.s32 $0xFFFFEC00  }
0x9f: {  	[tilespmem:s25], [sflag:$0x5] =	stream.indirect.gather [hbm4b:s4+s17], $0x80, s19, s17, $0xb8;
	[tilespmem:$0x1F220] =	vst v63  }
0xa0: {  	_ =	swait.ge [sflag:s16], $0x1400  }
0xa1: {  	[sflag:s16] =	ssyncset.done $0x0  }
0xa2: {  	s31 =	simm.s32 $0x18D58;
	[sflag:s16] =	ssyncadd.s32 $0xFFFFEC00  }
0xa3: {  	[spmem:s2] =	stream.indirect.scatter.add.f32 [tilespmem:s18], [sflag:$0x6], $0x80, s31, s17, $0xb8;
	[tilespmem:$0x1F220] =	vst v63  }
0xa4: {  	_ =	swait.ge [sflag:s14], $0x1400  }
0xa5: {  	[sflag:s14] =	ssyncset.done $0x0  }
0xa6: {  	[sflag:s14] =	ssyncadd.s32 $0xFFFFEC00  }
0xa7: {  	_ =	swait.ge [sflag:s26], $0x1400  }
0xa8: {  	[sflag:s26] =	ssyncset.done $0x0  }
0xa9: {  	s1 =	simm.s32 $0x18D80;
	[sflag:s26] =	ssyncadd.s32 $0xFFFFEC00  }
0xaa: {  	[spmem:s2] =	stream.indirect.scatter.add.f32 [tilespmem:s20], [sflag:$0x6], $0x80, s1, s17, $0xb8;
	[tilespmem:$0x1F220] =	vst v63  }
0xab: {  	_ =	swait.ge [sflag:s14], $0x1400  }
0xac: {  	[sflag:s14] =	ssyncset.done $0x0  }
0xad: {  	[sflag:s14] =	ssyncadd.s32 $0xFFFFEC00  }
0xae: {  	_ =	swait.ge [sflag:s28], $0x1400  }
0xaf: {  	[sflag:s28] =	ssyncset.done $0x0  }
0xb0: {  	s15 =	simm.s32 $0x18DA8;
	[sflag:s28] =	ssyncadd.s32 $0xFFFFEC00  }
0xb1: {  	[spmem:s2] =	stream.indirect.scatter.add.f32 [tilespmem:s22], [sflag:$0x6], $0x80, s15, s17, $0xb8;
	[tilespmem:$0x1F220] =	vst v63  }
0xb2: {  	_ =	swait.ge [sflag:s14], $0x1400  }
0xb3: {  	[sflag:s14] =	ssyncset.done $0x0  }
0xb4: {  	[sflag:s14] =	ssyncadd.s32 $0xFFFFEC00  }
0xb5: {  	_ =	swait.ge [sflag:s29], $0x1400  }
0xb6: {  	[sflag:s29] =	ssyncset.done $0x0  }
0xb7: {  	s19 =	simm.s32 $0x18DD0;
	[sflag:s29] =	ssyncadd.s32 $0xFFFFEC00  }
0xb8: {  	[spmem:s2] =	stream.indirect.scatter.add.f32 [tilespmem:s24], [sflag:$0x6], $0x80, s19, s17, $0xb8;
	[tilespmem:$0x1F220] =	vst v63  }
0xb9: {  	_ =	swait.ge [sflag:s14], $0x1400  }
0xba: {  	[sflag:s14] =	ssyncset.done $0x0  }
0xbb: {  	[sflag:s14] =	ssyncadd.s32 $0xFFFFEC00  }
0xbc: {  	_ =	swait.ge [sflag:s30], $0x1400  }
0xbd: {  	[sflag:s30] =	ssyncset.done $0x0  }
0xbe: {  	[sflag:s30] =	ssyncadd.s32 $0xFFFFEC00  }
0xbf: {  	[spmem:s2] =	stream.indirect.scatter.add.f32 [tilespmem:s25], [sflag:$0x6], $0x80, s21, s17, $0xb8;
	[tilespmem:$0x1F220] =	vst v63  }
0xc0: {  	_ =	swait.ge [sflag:s14], $0x1400  }
0xc1: {  	s23 =	sadd.s32 $0x1, s23;
	[sflag:s14] =	ssyncset.done $0x0  }
0xc2: {  	p0 =	sne.s32 s23, s11;
	[sflag:s14] =	ssyncadd.s32 $0xFFFFEC00  }
.Ltmp1:
0xc3: {  	s31 =	sor.u32 $0x1C06, s6;
	[bflag:$0x0] =	sbarrier.arrive $0xFFFF;
	(pc) =	sbr.rel @p0 .LBB2_1-.Ltmp1, $4  }
0xc4: {  	[hbm:s10], [sflag:s31] =	dma.local [spmem:s12], $0x2800  }
0xc5: {  	_ =	swait.ge [sflag:s14], $0x2800  }
0xc6: {  	[sflag:s14] =	ssyncset.done $0x0  }
0xc7: {  	[sflag:s14] =	ssyncadd.s32 $0xFFFFD800  }
0xc8: {  	_ =	sfence.sel $0x180000  }
0xc9: {  	[bflag:$0x0] =	sbarrier.arrive $0xFFFF  }
0xca: {  	_ =	strace $0x9000004D  }
0xcb: {  	s0 =	stileid.u32;
	[bflag:$0x2] =	sbarrier.arrive $0xFFFF  }
0xcc: {  	p0 =	sne.s32 s0, $0x0;
	s0 =	rddreg [dreg:$0x2]  }
0xcd: {  	s0 =	sadd.s32 @!p0 $0x100000, s0  }
0xce: {  	[sflag:s0] =	ssyncadd.tile.s32 @!p0 $0x1;
	_ =	shalt  }
.Lfunc_end2:
_tile_overlayer_lowered:
.L_overlay_start_2:
0xcf: {  	(tag) =	ssettag $0x2  }
0xd0: {  	s0 =	rddreg [dreg:$0x0];
	s2 =	stileid.u32  }
0xd1: {  	s1 =	rddreg [dreg:$0x1];
	p0 =	sne.s32 s2, $0x0  }
0xd2: {  	s3 =	rddreg [dreg:$0x2];
	[bflag:$0x3] =	sbarrier.arrive $0xFFFF;
	s2 =	simm.s32 @!p0 $0x1C06  }
0xd3: {  	[timem:s3], [sflag:s2] =	dma.local @!p0 [hbm:s0], s1  }
0xd4: {  	s0 =	simm.s32 @!p0 $0x6  }
0xd5: {  	_ =	swait.ge @!p0 [sflag:s0], s1  }
0xd6: {  	s1 =	ssub.s32 @!p0 $0x0, s1;
	[sflag:s0] =	ssyncset.done @!p0 $0x0  }
0xd7: {  	[sflag:s0] =	ssyncadd.s32 @!p0 s1  }
0xd8: {  	[bflag:$0x3] =	sbarrier.arrive $0xFFFF  }
0xd9: {  	_ =	shalt  }

// kernel: kernel.8.cloned.1.call-start
scs
__scs_entry_jumppad:
0x0: {  	(pc) =	sbr.rel $0x88, $3  }
0x1: {  	(tag) =	ssettag $0x0;
	lr =	simm.s32 $0x1  }
0x2: {  	[smem:$0x3F98] =	sst lr;
	_ =	strace $0xD0000000  }
0x3: {  	_ = 	snop  }
0x4: {  	_ = 	snop  }
0x5: {  	_ = 	snop  }
0x6: {  	_ = 	snop  }
0x7: {  	_ = 	snop  }
__scs_overlays_trampoline_lowered:
0x8: {  	[smem:$0x3FA7] =	sst s0  }
0x9: {  	[smem:$0x3FA8] =	sst s1  }
0xa: {  	[smem:$0x3FA9] =	sst s2  }
0xb: {  	[smem:$0x3FAA] =	sst s3  }
0xc: {  	[smem:$0x3FAB] =	sst s4  }
0xd: {  	[smem:$0x3FAC] =	sst s5  }
0xe: {  	[smem:$0x3FAD] =	sst s6  }
0xf: {  	[smem:$0x3FAE] =	sst s7  }
0x10: {  	[smem:$0x3FAF] =	sst s8  }
0x11: {  	[smem:$0x3FB0] =	sst s9;
	s0 =	simm.s32 @!p0 $0x0  }
0x12: {  	s1 =	sld [smem:$0x3F96];
	s0 =	simm.s32 @p0 $0x1  }
0x13: {  	[smem:$0x3FB1] =	sst s0;
	s0 =	simm.s32 @!p1 $0x0  }
0x14: {  	s2 =	sld [smem:$0x3F95];
	s0 =	simm.s32 @p1 $0x1  }
0x15: {  	[smem:$0x3FB2] =	sst s0;
	s0 =	simm.s32 @!p2 $0x0  }
0x16: {  	s3 =	sld [smem:$0x3FDB];
	s0 =	simm.s32 @p2 $0x1  }
0x17: {  	s4 =	simm.s32 $0x1BF5;
	[smem:$0x3FB4] =	sst s0  }
0x18: {  	s0 =	sld [smem:$0x3F97];
	_ =	swait.ge [sflag:s4], $0x0  }
0x19: {  	s7 =	sld [smem:$0x3F98]  }
0x1a: {  	s8 =	sadd.s32 $0xFFFFE003, lr  }
0x1b: {  	s9 =	sadd.s32 $0xFFFFFEF7, lr;
	s5 =	simm.s32 $0xFFFFFFFF;
	p2 =	slt.u32 s8, $0xFFFFF086  }
0x1c: {  	p1 =	slt.u32 s9, $0xF7A;
	s5 =	simm.s32 @!p2 $0x0  }
0x1d: {  	s5 =	simm.s32 @p1 $0x1;
	p0 =	seq.s32 s7, s2  }
0x1e: {  	s7 =	smul.u32 @!p0 $0xF7A, s2;
	p2 =	seq.s32 @!p0 s5, $0x0  }
0x1f: {  	s9 =	smul.u32 $0xF7A, s1;
	s8 =	simm.s32 @!p0 $0x1BF5;
	p2 =	por !p2, p0  }
0x20: {  	[sflag:s8] =	ssyncset.s32 @!p0 $0xFFFFF086;
	s6 =	sadd.s32 @!p0 s3, s7;
	s7 =	simm.s32 @!p0 $0x108  }
0x21: {  	s3 =	sadd.s32 s3, s9;
	s6 =	sadd.s32 @!p0 $0x88, s6;
	s7 =	simm.s32 @p2 $0x1082  }
0x22: {  	[simem:s7], [sflag:s8] =	dma.local @!p0 [hbm:s6], $0xF7A  }
0x23: {  	s9 =	sor.u32 $0xD0000000, s2;
	s6 =	simm.s32 $0x108;
	_ =	swait.ge @!p0 [sflag:s8], $0x0  }
0x24: {  	s3 =	sadd.s32 $0x88, s3;
	s6 =	simm.s32 @!p1 $0x1082;
	[sflag:s4] =	ssyncset.s32 $0xFFFFF086  }
0x25: {  	[simem:s6], [sflag:s4] =	dma.local [hbm:s3], $0xF7A  }
0x26: {  	[smem:$0x3F98] =	sst s1;
	(tag) =	ssettag s2;
	_ =	strace s9  }
0x27: {  	s1 =	sld [smem:$0x3FA8]  }
0x28: {  	s2 =	sld [smem:$0x3FA9]  }
0x29: {  	s4 =	sld [smem:$0x3FAB]  }
0x2a: {  	p0 =	seq.s32 s5, $0x0;
	s5 =	sld [smem:$0x3FAC]  }
0x2b: {  	s6 =	sld [smem:$0x3FAD]  }
0x2c: {  	s7 =	sld [smem:$0x3FAE]  }
0x2d: {  	s3 =	simm.s32 $0x108;
	s8 =	sld [smem:$0x3FAF]  }
0x2e: {  	s3 =	simm.s32 @!p0 $0x1082;
	s9 =	sld [smem:$0x3FB0]  }
0x2f: {  	lr =	sadd.s32 s0, s3;
	s0 =	sld [smem:$0x3FA7]  }
0x30: {  	s3 =	sld [smem:$0x3FAA]  }
0x31: {  	[smem:$0x3FB3] =	sst s10  }
0x32: {  	s10 =	sld [smem:$0x3FB1];
	_ =	sdelay $0x3  }
0x33: {  	p0 =	seq.s32 s10, $0x1;
	s10 =	sld [smem:$0x3FB3];
	_ =	sdelay $0x3  }
0x34: {  	[smem:$0x3FB3] =	sst s10  }
0x35: {  	s10 =	sld [smem:$0x3FB2];
	_ =	sdelay $0x3  }
0x36: {  	p1 =	seq.s32 s10, $0x1;
	s10 =	sld [smem:$0x3FB3];
	_ =	sdelay $0x3  }
0x37: {  	[smem:$0x3FB3] =	sst s10  }
0x38: {  	s10 =	sld [smem:$0x3FB4]  }
0x39: {  	_ = 	snop;
	(pc) =	sbr.ind lr, $3  }
0x3a: {  	_ = 	snop  }
0x3b: {  	_ = 	snop  }
0x3c: {  	p2 =	seq.s32 s10, $0x1;
	s10 =	sld [smem:$0x3FB3]  }
0x3d: {  	_ =	shalt  }
0x3e: {  	_ =	shalt  }
0x3f: {  	_ =	shalt  }
0x40: {  	_ =	shalt  }
0x41: {  	_ =	shalt  }
0x42: {  	_ =	shalt  }
0x43: {  	_ =	shalt  }
0x44: {  	_ =	shalt  }
0x45: {  	_ =	shalt  }
0x46: {  	_ =	shalt  }
0x47: {  	_ =	shalt  }
0x48: {  	_ =	shalt  }
0x49: {  	_ =	shalt  }
0x4a: {  	_ =	shalt  }
0x4b: {  	_ =	shalt  }
0x4c: {  	_ =	shalt  }
0x4d: {  	_ =	shalt  }
0x4e: {  	_ =	shalt  }
0x4f: {  	_ =	shalt  }
0x50: {  	_ =	shalt  }
0x51: {  	_ =	shalt  }
0x52: {  	_ =	shalt  }
0x53: {  	_ =	shalt  }
0x54: {  	_ =	shalt  }
0x55: {  	_ =	shalt  }
0x56: {  	_ =	shalt  }
0x57: {  	_ =	shalt  }
0x58: {  	_ =	shalt  }
0x59: {  	_ =	shalt  }
0x5a: {  	_ =	shalt  }
0x5b: {  	_ =	shalt  }
0x5c: {  	_ =	shalt  }
0x5d: {  	_ =	shalt  }
0x5e: {  	_ =	shalt  }
0x5f: {  	_ =	shalt  }
0x60: {  	_ =	shalt  }
0x61: {  	_ =	shalt  }
0x62: {  	_ =	shalt  }
0x63: {  	_ =	shalt  }
0x64: {  	_ =	shalt  }
0x65: {  	_ =	shalt  }
0x66: {  	_ =	shalt  }
0x67: {  	_ =	shalt  }
0x68: {  	_ =	shalt  }
0x69: {  	_ =	shalt  }
0x6a: {  	_ =	shalt  }
0x6b: {  	_ =	shalt  }
0x6c: {  	_ =	shalt  }
0x6d: {  	_ =	shalt  }
0x6e: {  	_ =	shalt  }
0x6f: {  	_ =	shalt  }
0x70: {  	_ =	shalt  }
0x71: {  	_ =	shalt  }
0x72: {  	_ =	shalt  }
0x73: {  	_ =	shalt  }
0x74: {  	_ =	shalt  }
0x75: {  	_ =	shalt  }
0x76: {  	_ =	shalt  }
0x77: {  	_ =	shalt  }
0x78: {  	_ =	shalt  }
0x79: {  	_ =	shalt  }
0x7a: {  	_ =	shalt  }
0x7b: {  	_ =	shalt  }
0x7c: {  	_ =	shalt  }
0x7d: {  	_ =	shalt  }
0x7e: {  	_ =	shalt  }
0x7f: {  	_ =	shalt  }
0x80: {  	_ =	shalt  }
0x81: {  	_ =	shalt  }
0x82: {  	_ =	shalt  }
0x83: {  	_ =	shalt  }
0x84: {  	_ =	shalt  }
0x85: {  	_ =	shalt  }
0x86: {  	_ =	shalt  }
0x87: {  	_ =	shalt  }
.Lfunc_end0:
.L_simem_size_0:
called_computation_lowered:
.L_overlay_start_0:
0x88: {  	s2 =	sld [smem:$0x3FD9]  }
0x89: {  	s3 =	sld [smem:$0x3FFE];
	_ =	sdelay $0x1  }
0x8a: {  	s1 =	srdreg.scid  }
0x8b: {  	s0 =	sand.u32 $0x1, s1  }
0x8c: {  	s17 =	sshll.u32 s0, $0xA;
	s2 =	sadd.s32 s3, s2  }
0x8d: {  	s2 =	sadd.s32 s2, s17  }
0x8e: {  	[smem:$0x3FBF] =	sst s2  }
0x8f: {  	_ = 	snop  }
0x90: {  	s2 =	sld [smem:$0x3FD0];
	(tm) =	ssettm $0x1  }
0x91: {  	s18 =	sld [smem:$0x3FFB];
	_ =	sdelay $0x3  }
0x92: {  	_ =	strace s18  }
0x93: {  	s3 =	sld [smem:$0x3FFC];
	_ =	sdelay $0x3  }
0x94: {  	_ =	strace s3  }
0x95: {  	s3 =	sld [smem:$0x3FFD];
	_ =	sdelay $0x3  }
0x96: {  	_ =	strace s3  }
0x97: {  	_ =	strace $0x8FFFFFFF  }
0x98: {  	s19 =	sld [smem:$0x3FDB];
	_ =	sdelay $0x1  }
0x99: {  	s4 =	simm.s32 $_scs_section_size  }
0x9a: {  	s5 =	simm.s32 $_size__tile_overlayer_lowered;
	s6 =	simm.s32 $_tile_overlayer_lowered  }
0x9b: {  	s22 =	simm.s32 $0x1BFF;
	s21 =	sshll.u32 s6, $0x1;
	s3 =	sadd.s32 s4, s19  }
0x9c: {  	s7 =	simm.s32 $0x0;
	s20 =	sshll.u32 s5, $0x1;
	s5 =	sadd.s32 s21, s3  }
0x9d: {  	[timem:s7], [sflag:s22] =	dma.local [hbm:s5], s20  }
0x9e: {  	_ =	swait.ge [sflag:s22], s20  }
0x9f: {  	s4 =	ssub.s32 $0x0, s20;
	[sflag:s22] =	ssyncset.done $0x0  }
0xa0: {  	[sflag:s22] =	ssyncadd.s32 s4;
	_ =	sdelay $0x1  }
0xa1: {  	s23 =	simm.s32 $0x1B8B  }
0xa2: {  	_ =	swait.ge [sflag:s23], $0x1  }
0xa3: {  	[sflag:s23] =	ssyncset.done $0x0  }
0xa4: {  	s25 =	simm.s32 $0x1B8E;
	s24 =	sld [smem:$0x3FFE];
	[sflag:s23] =	ssyncadd.s32 $0xFFFFFFFF  }
0xa5: {  	s26 =	simm.s32 $execute0_lowered;
	[smem:$0x3FD2] =	sst s25  }
0xa6: {  	s5 =	sshll.u32 s26, $0x1;
	_ =	strace $0x80000046;
	[dreg:$0x1] =	wrdreg $0xFFFFFFFF  }
0xa7: {  	s28 =	simm.s32 $_size_execute0_lowered;
	s3 =	sadd.s32 s3, s5;
	[dreg:$0x0] =	wrdreg $0x0  }
0xa8: {  	s5 =	sshll.u32 s28, $0x1;
	[dreg:$0x2] =	wrdreg s3  }
0xa9: {  	[dreg:$0x3] =	wrdreg s5  }
0xaa: {  	[dreg:$0x4] =	wrdreg $0xC0  }
0xab: {  	_ =	task [dreg:s7], $0x5FFFF  }
0xac: {  	[dreg:$0x1] =	wrdreg $0xFFFFFFFF  }
0xad: {  	[dreg:$0x0] =	wrdreg $0x60  }
0xae: {  	[dreg:$0x2] =	wrdreg s24  }
0xaf: {  	[dreg:$0x3] =	wrdreg s2  }
0xb0: {  	[dreg:$0x4] =	wrdreg $0x0  }
0xb1: {  	[dreg:$0x5] =	wrdreg $0x9  }
0xb2: {  	_ =	task.clear_ibuf [dreg:s7], $0x6FFFF;
	_ =	strace $0x90000046  }
0xb3: {  	s29 =	simm.s32 $0x9;
	_ =	strace $0x80000048  }
0xb4: {  	_ =	swait.ge [sflag:s29], $0x1  }
0xb5: {  	[sflag:s29] =	ssyncadd.s32 $0xFFFFFFFF  }
0xb6: {  	_ =	strace $0x90000048  }
0xb7: {  	_ =	sfence  }
0xb8: {  	s30 =	sld [smem:$0x0];
	_ =	sdelay $0x2  }
0xb9: {  	s31 =	sshll.u32 s1, $0xD;
	s1 =	sshrl.u32 s1, $0x2  }
0xba: {  	s3 =	sand.u32 $0x4000, s31;
	s1 =	sadd.s32 s1, s30  }
0xbb: {  	s0 =	sor.u32 s3, s0;
	s1 =	sshll.u32 s1, $0x11  }
0xbc: {  	s0 =	sor.u32 s1, s0  }
0xbd: {  	s0 =	sadd.s32 $0x8F2B, s0  }
0xbe: {  	[sflag:s0] =	ssyncadd.remote.s32 $0x1  }
0xbf: {  	_ =	sfence.sel $0xFFFF  }
0xc0: {  	[dreg:$0x0] =	wrdreg $0xFFFFFFFF;
	(pc) =	sbr.abs _section_cstart, $3  }
0xc1: {  	[dreg:$0x1] =	wrdreg $0xFFFFFFFF  }
0xc2: {  	_ =	task.clear_ibuf [dreg:s7], $0x2FFFF;
	_ =	strace $0x9FFFFFFF  }
0xc3: {  	(tm) =	ssettm $0x7FFFFFFF  }
tec
execute0_lowered:
.L_overlay_start_1:
0x0: {  	(tag) =	ssettag $0x1  }
0x1: {  	s6 =	rddreg [dreg:$0x0]  }
0x2: {  	s0 =	srdreg.scid;
	s2 =	rddreg [dreg:$0x1]  }
0x3: {  	s3 =	rddreg [dreg:$0x2];
	s4 =	simm.s32 $0x0;
	s13 =	simm.s32 $0x4F10  }
0x4: {  	s14 =	simm.s32 $0x1;
	s5 =	sand.u32 $0x1, s0;
	s0 =	stileid.u32  }
0x5: {  	s15 =	simm.s32 $0x28;
	s17 =	simm.s32 $0x0;
	s8 =	smul.u32 $0x2800, s0  }
0x6: {  	[smem:$0x7FF] =	sst s4;
	s1 =	sshll.u32 s5, $0x4;
	s9 =	smul.u32 $0x28000, s5  }
0x7: {  	s5 =	ssub.s32 $0x2, s5;
	s16 =	sshll.u32 s0, $0x6;
	s1 =	sor.u32 s0, s1  }
0x8: {  	s11 =	sshrl.u32 s5, $0x1;
	s7 =	smul.u32 $0x4E2, s1;
	s1 =	rddreg [dreg:$0x3]  }
0x9: {  	_ =	strace $0x80000047;
	s9 =	sadd.s32 s8, s9;
	s10 =	sshrl.u32 s8, $0x3  }
0xa: {  	s11 =	ssub.s32 s5, s11;
	s12 =	sadd.s32 s8, s3;
	s9 =	sshrl.u32 s9, $0x3  }
0xb: {  	s10 =	sadd.s32 s10, s6;
	s7 =	sadd.s32 s7, s6;
	s9 =	sadd.s32 s9, s6  }
0xc: {  	s5 =	sadd.s32 $0x17000, s10;
	s6 =	sor.u32 $0x1C01, s16;
	s10 =	sshrl.u32 s12, $0x3  }
0xd: {  	s12 =	simm.s32 $0x2;
	s16 =	sor.u32 $0x1C02, s16;
	s7 =	sadd.s32 $0xD200, s7  }
0xe: {  	s8 =	sadd.s32 $0x1C000, s9;
	s9 =	smax.u32 s11, $0x1;
	s11 =	simm.s32 $0x2800  }
.LBB2_1:
0xf: {  	[spmem:s10], [sflag:s6] =	dma.local [hbm:s5], $0x500  }
0x10: {  	[tilespmem:s11], [sflag:$0x2] =	stream.linear.gather [hbm4b:s7+s4], $0x2710, $0x38;
	[tilespmem:$0x5190] =	vst v63  }
0x11: {  	_ =	swait.ge [sflag:s12], $0x2710  }
0x12: {  	[sflag:s12] =	ssyncset.done $0x0  }
0x13: {  	[sflag:s12] =	ssyncadd.s32 $0xFFFFD8F0  }
0x14: {  	[tilespmem:s13], [sflag:$0x2] =	stream.linear.gather [hbm4b:s2+s4], $0x280, $0x38;
	[tilespmem:$0x5190] =	vst v63  }
0x15: {  	_ =	swait.ge [sflag:s12], $0x280  }
0x16: {  	[sflag:s12] =	ssyncset.done $0x0  }
0x17: {  	[sflag:s12] =	ssyncadd.s32 $0xFFFFFD80  }
0x18: {  	_ =	swait.ge [sflag:s14], $0x500  }
0x19: {  	[sflag:s14] =	ssyncset.done $0x0  }
0x1a: {  	[sflag:s14] =	ssyncadd.s32 $0xFFFFFB00  }
0x1b: {  	s18 =	simm.s32 $0x2800;
	[bflag:$0x0] =	sbarrier.arrive $0xFFFF  }
0x1c: {  	[spmem:s3] =	stream.indirect.scatter.add.f32 [tilespmem:s13], [sflag:$0x2], $0x10, s18, s15, $0xb8;
	[tilespmem:$0x5190] =	vst v63  }
0x1d: {  	s18 =	simm.s32 $0xA0;
	_ =	swait.ge [sflag:s12], $0x280  }
.LBB2_2:
0x1e: {  	s19 =	sshra.s32 s18, $0x2;
	[sflag:s12] =	ssyncset.done $0x0;
	p0 =	sne.s32 s18, $0x9BA0  }
.Ltmp0:
0x1f: {  	s19 =	sadd.s32 $0x2800, s19;
	[sflag:s12] =	ssyncadd.s32 $0xFFFFFD80;
	(pc) =	sbr.rel @p0 .LBB2_2-.Ltmp0, $3  }
0x20: {  	[spmem:s3] =	stream.indirect.scatter.add.f32 [tilespmem:s13], [sflag:$0x2], $0x10, s19, s15, $0xb8;
	[tilespmem:$0x5190] =	vst v63  }
0x21: {  	s18 =	sadd.s32 $0xA0, s18;
	_ =	sdelay $0x1  }
0x22: {  	_ =	swait.ge [sflag:s12], $0x280  }
0x23: {  	[sflag:s12] =	ssyncset.done $0x0;
	s17 =	sadd.s32 $0x1, s17  }
0x24: {  	[sflag:s12] =	ssyncadd.s32 $0xFFFFFD80;
	p0 =	sne.s32 s17, s9  }
.Ltmp1:
0x25: {  	[bflag:$0x0] =	sbarrier.arrive $0xFFFF;
	(pc) =	sbr.rel @p0 .LBB2_1-.Ltmp1, $4  }
0x26: {  	[hbm:s8], [sflag:s16] =	dma.local [spmem:s10], $0x500  }
0x27: {  	_ =	swait.ge [sflag:s12], $0x500  }
0x28: {  	[sflag:s12] =	ssyncset.done $0x0  }
0x29: {  	[sflag:s12] =	ssyncadd.s32 $0xFFFFFB00  }
0x2a: {  	_ =	sfence.sel $0x180000  }
0x2b: {  	[bflag:$0x0] =	sbarrier.arrive $0xFFFF  }
0x2c: {  	p0 =	sne.s32 s0, $0x0;
	_ =	strace $0x90000047  }
0x2d: {  	s0 =	sadd.s32 @!p0 $0x100000, s1;
	[bflag:$0x2] =	sbarrier.arrive $0xFFFF  }
0x2e: {  	[sflag:s0] =	ssyncadd.tile.s32 @!p0 $0x1;
	_ =	shalt  }
.Lfunc_end2:
_tile_overlayer_lowered:
.L_overlay_start_2:
0x2f: {  	(tag) =	ssettag $0x2  }
0x30: {  	s0 =	rddreg [dreg:$0x0];
	s2 =	stileid.u32  }
0x31: {  	s1 =	rddreg [dreg:$0x1];
	p0 =	sne.s32 s2, $0x0  }
0x32: {  	s3 =	rddreg [dreg:$0x2];
	[bflag:$0x3] =	sbarrier.arrive $0xFFFF;
	s2 =	simm.s32 @!p0 $0x1C02  }
0x33: {  	[timem:s3], [sflag:s2] =	dma.local @!p0 [hbm:s0], s1  }
0x34: {  	s0 =	simm.s32 @!p0 $0x2  }
0x35: {  	_ =	swait.ge @!p0 [sflag:s0], s1  }
0x36: {  	s1 =	ssub.s32 @!p0 $0x0, s1;
	[sflag:s0] =	ssyncset.done @!p0 $0x0  }
0x37: {  	[sflag:s0] =	ssyncadd.s32 @!p0 s1  }
0x38: {  	[bflag:$0x3] =	sbarrier.arrive $0xFFFF  }
0x39: {  	_ =	shalt  }

</sc_bundles>
